<compile_context>
chip_gen: v7x
topology: tpu7x:2x2x1
jax: 0.10.2.dev20260603
libtpu: 0.0.44.dev20260713+nightly
codegen_flags: <defaults>
</compile_context>

<pallas_src>
import functools

import jax
import jax.numpy as jnp
from jax import lax
from jax.experimental import pallas as pl
from jax.experimental.pallas import tpu as pltpu
from jax.experimental.pallas import tpu_sc as plsc

_N_CLASSES = 1000000
_EMB_DIM = 32
_BATCH = 16384
_LANES = 128

_NUM_CORES = 2
_NUM_SUBCORES = 16
_NW = _NUM_CORES * _NUM_SUBCORES
_B_PER_W = _BATCH // _NW
_RING = 8


_mesh = plsc.VectorSubcoreMesh(core_axis_name="c", subcore_axis_name="s")


@functools.partial(
    pl.kernel,
    mesh=_mesh,
    out_type=jax.ShapeDtypeStruct((_BATCH, _EMB_DIM), jnp.float32),
    scratch_types=[
        pltpu.VMEM((_B_PER_W,), jnp.int32),
        pltpu.VMEM((_RING, _EMB_DIM, _LANES), jnp.float32),
        pltpu.VMEM((_B_PER_W, _EMB_DIM), jnp.float32),
    ] + [pltpu.SemaphoreType.DMA] * _RING,
    compiler_params=pltpu.CompilerParams(needs_layout_passes=False),
)
def _gather_kernel(idx_hbm, table_hbm, out_hbm, idx_v, cols_v, rows_v, *sems):
    wid = lax.axis_index("s") * _NUM_CORES + lax.axis_index("c")
    base = wid * _B_PER_W
    pltpu.sync_copy(idx_hbm.at[pl.ds(base, _B_PER_W)], idx_v)

    c_lo = lax.iota(jnp.int32, 16)
    c_hi = c_lo + jnp.int32(16)

    def fire(slot, t):
        tc = lax.shift_right_logical(t, 7)
        off = pl.multiple_of(tc * _LANES, _LANES)
        pltpu.async_copy(
            table_hbm.at[:, pl.ds(off, _LANES)], cols_v.at[slot], sems[slot])

    def drain_extract(slot, t, dst_i):
        pltpu.make_async_copy(
            table_hbm.at[:, pl.ds(0, _LANES)], cols_v.at[slot],
            sems[slot]).wait()
        lane = lax.bitwise_and(t, jnp.int32(_LANES - 1))
        j = jnp.full((16,), lane, jnp.int32)
        d = jnp.full((16,), dst_i, jnp.int32)
        v0 = plsc.load_gather(cols_v.at[slot], [c_lo, j])
        v1 = plsc.load_gather(cols_v.at[slot], [c_hi, j])
        plsc.store_scatter(rows_v, [d, c_lo], v0)
        plsc.store_scatter(rows_v, [d, c_hi], v1)

    def body(t, carry):
        vec = idx_v[pl.ds(t * 16, 16)]
        for half in range(2):
            for l in range(_RING):
                fire(l, vec[half * _RING + l])
            for l in range(_RING):
                drain_extract(l, vec[half * _RING + l],
                              t * 16 + half * _RING + l)
        return carry

    lax.fori_loop(0, _B_PER_W // 16, body, 0)

    pltpu.sync_copy(rows_v, out_hbm.at[pl.ds(base, _B_PER_W)])


def kernel(targets, embs):
    return _gather_kernel(targets.astype(jnp.int32), embs.T)

# --- scband reference (transcript-rebuilt; emitter-appended) ---
"""Pipeline reference for scband-embeddings4-recon-81028853006945 (READ-ONLY COPY).

The authoritative reference and input builder live on the scoring server;
editing this copy changes nothing except your own understanding.
"""

import jax, jax.numpy as jnp
import numpy as np

N_CLASSES = 1000000
EMB_DIM = 32
BATCH = 16384

def setup_inputs(seed: int = 0) -> dict:
    key = jax.random.key(seed)
    k1, k2 = jax.random.split(key)
    targets = jax.random.randint(k1, (BATCH,), 0, N_CLASSES, dtype=jnp.int64 if jax.config.jax_enable_x64 else jnp.int32)
    embs = jax.random.normal(k2, (N_CLASSES, EMB_DIM), dtype=jnp.float32)
    return {"targets": targets, "embs": embs}

def reference(targets, embs):
    # targets = targets.view(-1, 1); return self.embs[targets].view(-1, emb_dim)
    t = targets.reshape(-1, 1)
    out = jnp.take(embs, t, axis=0)  # shape (B, 1, emb_dim)
    return out.reshape(-1, EMB_DIM)

if __name__ == "__main__":
    import jax
    _d = setup_inputs()
    print(jax.jit(kernel)(*tuple(_d.values())))

</pallas_src>

<mosaic_0001>
#map = affine_map<(d0, d1) -> (0)>
#map1 = affine_map<(d0, d1) -> (0, 0)>
module attributes {stable_mosaic.version = 14 : i64} {
  func.func @_gather_kernel(%arg0: i32, %arg1: i32, %arg2: memref<16384xi32, #tpu.memory_space<hbm>>, %arg3: memref<32x1000000xf32, #tpu.memory_space<hbm>>, %arg4: memref<16384x32xf32, #tpu.memory_space<hbm>>, %arg5: memref<512xi32, #tpu.memory_space<vmem>>, %arg6: memref<8x32x128xf32, #tpu.memory_space<vmem>>, %arg7: memref<512x32xf32, #tpu.memory_space<vmem>>, %arg8: memref<!tpu.dma_semaphore, #tpu.memory_space<semaphore_mem>>, %arg9: memref<!tpu.dma_semaphore, #tpu.memory_space<semaphore_mem>>, %arg10: memref<!tpu.dma_semaphore, #tpu.memory_space<semaphore_mem>>, %arg11: memref<!tpu.dma_semaphore, #tpu.memory_space<semaphore_mem>>, %arg12: memref<!tpu.dma_semaphore, #tpu.memory_space<semaphore_mem>>, %arg13: memref<!tpu.dma_semaphore, #tpu.memory_space<semaphore_mem>>, %arg14: memref<!tpu.dma_semaphore, #tpu.memory_space<semaphore_mem>>, %arg15: memref<!tpu.dma_semaphore, #tpu.memory_space<semaphore_mem>>) attributes {dimension_semantics = [#tpu.dimension_semantics<core_parallel>, #tpu.dimension_semantics<subcore_parallel>], iteration_bounds = array<i64: 2, 16>, scalar_prefetch = 0 : i64, scratch_operands = 11 : i64, tpu.core_type = #tpu.core_type<sc_vector_subcore>, window_params = [{transform_indices = #map}, {transform_indices = #map1}, {transform_indices = #map1}]} {
    %mul3A = arith.constant 2 : i32
    %mul3A_0 = arith.muli %arg1, %mul3A : i32
    %add3A = arith.addi %mul3A_0, %arg0 : i32
    %mul3A_1 = arith.constant 512 : i32
    %mul3A_2 = arith.muli %add3A, %mul3A_1 : i32
    "tpu.region"() ({
      %run_scoped3A = tpu.sem_alloc : memref<!tpu.dma_semaphore, #tpu.memory_space<semaphore_mem>>
      %dma_start3A = tpu.memref_slice %arg2[%mul3A_2] : memref<16384xi32, #tpu.memory_space<hbm>> -> memref<512xi32, #tpu.memory_space<hbm>>
      %dma_start3A_11 = tpu.memref_slice %arg2[%mul3A_2] : memref<16384xi32, #tpu.memory_space<hbm>> -> memref<512xi32, #tpu.memory_space<hbm>>
      tpu.enqueue_dma source(%dma_start3A_11 : memref<512xi32, #tpu.memory_space<hbm>>) target(%arg5 : memref<512xi32, #tpu.memory_space<vmem>>) target_semaphore(%run_scoped3A : memref<!tpu.dma_semaphore, #tpu.memory_space<semaphore_mem>>)
      %dma_wait3A = tpu.memref_slice %arg2[%mul3A_2] : memref<16384xi32, #tpu.memory_space<hbm>> -> memref<512xi32, #tpu.memory_space<hbm>>
      %dma_wait3A_12 = tpu.memref_slice %arg2[%mul3A_2] : memref<16384xi32, #tpu.memory_space<hbm>> -> memref<512xi32, #tpu.memory_space<hbm>>
      tpu.wait_dma2 semaphore(%run_scoped3A : memref<!tpu.dma_semaphore, #tpu.memory_space<semaphore_mem>>) src(%dma_wait3A_12 : memref<512xi32, #tpu.memory_space<hbm>>) dst(%arg5 : memref<512xi32, #tpu.memory_space<vmem>>)
      tpu.yield
    }) : () -> ()
    %iota3A = tpu.iota {dimensions = array<i32: 0>} : vector<16xi32>
    %add3A_3 = arith.constant 16 : i32
    %add3A_4 = vector.broadcast %add3A_3 : i32 to vector<16xi32>
    %add3A_5 = arith.addi %iota3A, %add3A_4 : vector<16xi32>
    %scan3A = arith.constant 0 : i32
    %scan3A_6 = arith.constant 0 : i32
    %scan3A_7 = arith.constant 32 : i32
    %scan3A_8 = arith.addi %scan3A_6, %scan3A_7 : i32
    %scan3A_9 = arith.constant 1 : i32
    scf.for %scan3A_11 = %scan3A_6 to %scan3A_8 step %scan3A_9  : i32 {
      %mul3A_12 = arith.constant 16 : i32
      %mul3A_13 = arith.muli %scan3A_11, %mul3A_12 : i32
      %get3A = arith.index_cast %mul3A_13 : i32 to index
      %get3A_14 = tpu.vector_load %arg5[%get3A] {strides = array<i32>} : memref<512xi32, #tpu.memory_space<vmem>>, vector<16xi32>,
      %slice3A = vector.extract_strided_slice %get3A_14 {offsets = [0], sizes = [1], strides = [1]} : vector<16xi32> to vector<1xi32>
      %squeeze3A = vector.extract %slice3A[0] : i32 from vector<1xi32>
      %shift_right_logical3A = arith.constant 7 : i32
      %shift_right_logical3A_15 = arith.shrui %squeeze3A, %shift_right_logical3A : i32
      %mul3A_16 = arith.constant 128 : i32
      %mul3A_17 = arith.muli %shift_right_logical3A_15, %mul3A_16 : i32
      %multiple_of3A = tpu.assume_multiple %mul3A_17, 128 : i32
      %dma_start3A = arith.constant 0 : i32
      %dma_start3A_18 = arith.constant 0 : i32
      %dma_start3A_19 = arith.constant 0 : i32
      %dma_start3A_20 = tpu.memref_slice %arg6[%dma_start3A, %dma_start3A_18, %dma_start3A_19] : memref<8x32x128xf32, #tpu.memory_space<vmem>> -> memref<1x32x128xf32, #tpu.memory_space<vmem>>
      %dma_start3A_21 = tpu.memref_squeeze %dma_start3A_20 : memref<1x32x128xf32, #tpu.memory_space<vmem>> -> memref<32x128xf32, #tpu.memory_space<vmem>>
      %dma_start3A_22 = arith.constant 0 : i32
      %dma_start3A_23 = tpu.memref_slice %arg3[%dma_start3A_22, %multiple_of3A] : memref<32x1000000xf32, #tpu.memory_space<hbm>> -> memref<32x128xf32, #tpu.memory_space<hbm>>
      %dma_start3A_24 = arith.constant 0 : i32
      %dma_start3A_25 = arith.constant 0 : i32
      %dma_start3A_26 = tpu.memref_slice %arg6[%dma_start3A, %dma_start3A_24, %dma_start3A_25] : memref<8x32x128xf32, #tpu.memory_space<vmem>> -> memref<1x32x128xf32, #tpu.memory_space<vmem>>
      %dma_start3A_27 = tpu.memref_squeeze %dma_start3A_26 : memref<1x32x128xf32, #tpu.memory_space<vmem>> -> memref<32x128xf32, #tpu.memory_space<vmem>>
      %dma_start3A_28 = arith.constant 0 : i32
      %dma_start3A_29 = tpu.memref_slice %arg3[%dma_start3A_28, %multiple_of3A] : memref<32x1000000xf32, #tpu.memory_space<hbm>> -> memref<32x128xf32, #tpu.memory_space<hbm>>
      tpu.enqueue_dma source(%dma_start3A_29 : memref<32x128xf32, #tpu.memory_space<hbm>>) target(%dma_start3A_27 : memref<32x128xf32, #tpu.memory_space<vmem>>) target_semaphore(%arg8 : memref<!tpu.dma_semaphore, #tpu.memory_space<semaphore_mem>>)
      %slice3A_30 = vector.extract_strided_slice %get3A_14 {offsets = [1], sizes = [1], strides = [1]} : vector<16xi32> to vector<1xi32>
      %squeeze3A_31 = vector.extract %slice3A_30[0] : i32 from vector<1xi32>
      %shift_right_logical3A_32 = arith.constant 7 : i32
      %shift_right_logical3A_33 = arith.shrui %squeeze3A_31, %shift_right_logical3A_32 : i32
      %mul3A_34 = arith.constant 128 : i32
      %mul3A_35 = arith.muli %shift_right_logical3A_33, %mul3A_34 : i32
      %multiple_of3A_36 = tpu.assume_multiple %mul3A_35, 128 : i32
      %dma_start3A_37 = arith.constant 1 : i32
      %dma_start3A_38 = arith.constant 0 : i32
      %dma_start3A_39 = arith.constant 0 : i32
      %dma_start3A_40 = tpu.memref_slice %arg6[%dma_start3A_37, %dma_start3A_38, %dma_start3A_39] : memref<8x32x128xf32, #tpu.memory_space<vmem>> -> memref<1x32x128xf32, #tpu.memory_space<vmem>>
      %dma_start3A_41 = tpu.memref_squeeze %dma_start3A_40 : memref<1x32x128xf32, #tpu.memory_space<vmem>> -> memref<32x128xf32, #tpu.memory_space<vmem>>
      %dma_start3A_42 = arith.constant 0 : i32
      %dma_start3A_43 = tpu.memref_slice %arg3[%dma_start3A_42, %multiple_of3A_36] : memref<32x1000000xf32, #tpu.memory_space<hbm>> -> memref<32x128xf32, #tpu.memory_space<hbm>>
      %dma_start3A_44 = arith.constant 0 : i32
      %dma_start3A_45 = arith.constant 0 : i32
      %dma_start3A_46 = tpu.memref_slice %arg6[%dma_start3A_37, %dma_start3A_44, %dma_start3A_45] : memref<8x32x128xf32, #tpu.memory_space<vmem>> -> memref<1x32x128xf32, #tpu.memory_space<vmem>>
      %dma_start3A_47 = tpu.memref_squeeze %dma_start3A_46 : memref<1x32x128xf32, #tpu.memory_space<vmem>> -> memref<32x128xf32, #tpu.memory_space<vmem>>
      %dma_start3A_48 = arith.constant 0 : i32
      %dma_start3A_49 = tpu.memref_slice %arg3[%dma_start3A_48, %multiple_of3A_36] : memref<32x1000000xf32, #tpu.memory_space<hbm>> -> memref<32x128xf32, #tpu.memory_space<hbm>>
      tpu.enqueue_dma source(%dma_start3A_49 : memref<32x128xf32, #tpu.memory_space<hbm>>) target(%dma_start3A_47 : memref<32x128xf32, #tpu.memory_space<vmem>>) target_semaphore(%arg9 : memref<!tpu.dma_semaphore, #tpu.memory_space<semaphore_mem>>)
      %slice3A_50 = vector.extract_strided_slice %get3A_14 {offsets = [2], sizes = [1], strides = [1]} : vector<16xi32> to vector<1xi32>
      %squeeze3A_51 = vector.extract %slice3A_50[0] : i32 from vector<1xi32>
      %shift_right_logical3A_52 = arith.constant 7 : i32
      %shift_right_logical3A_53 = arith.shrui %squeeze3A_51, %shift_right_logical3A_52 : i32
      %mul3A_54 = arith.constant 128 : i32
      %mul3A_55 = arith.muli %shift_right_logical3A_53, %mul3A_54 : i32
      %multiple_of3A_56 = tpu.assume_multiple %mul3A_55, 128 : i32
      %dma_start3A_57 = arith.constant 2 : i32
      %dma_start3A_58 = arith.constant 0 : i32
      %dma_start3A_59 = arith.constant 0 : i32
      %dma_start3A_60 = tpu.memref_slice %arg6[%dma_start3A_57, %dma_start3A_58, %dma_start3A_59] : memref<8x32x128xf32, #tpu.memory_space<vmem>> -> memref<1x32x128xf32, #tpu.memory_space<vmem>>
      %dma_start3A_61 = tpu.memref_squeeze %dma_start3A_60 : memref<1x32x128xf32, #tpu.memory_space<vmem>> -> memref<32x128xf32, #tpu.memory_space<vmem>>
      %dma_start3A_62 = arith.constant 0 : i32
      %dma_start3A_63 = tpu.memref_slice %arg3[%dma_start3A_62, %multiple_of3A_56] : memref<32x1000000xf32, #tpu.memory_space<hbm>> -> memref<32x128xf32, #tpu.memory_space<hbm>>
      %dma_start3A_64 = arith.constant 0 : i32
      %dma_start3A_65 = arith.constant 0 : i32
      %dma_start3A_66 = tpu.memref_slice %arg6[%dma_start3A_57, %dma_start3A_64, %dma_start3A_65] : memref<8x32x128xf32, #tpu.memory_space<vmem>> -> memref<1x32x128xf32, #tpu.memory_space<vmem>>
      %dma_start3A_67 = tpu.memref_squeeze %dma_start3A_66 : memref<1x32x128xf32, #tpu.memory_space<vmem>> -> memref<32x128xf32, #tpu.memory_space<vmem>>
      %dma_start3A_68 = arith.constant 0 : i32
      %dma_start3A_69 = tpu.memref_slice %arg3[%dma_start3A_68, %multiple_of3A_56] : memref<32x1000000xf32, #tpu.memory_space<hbm>> -> memref<32x128xf32, #tpu.memory_space<hbm>>
      tpu.enqueue_dma source(%dma_start3A_69 : memref<32x128xf32, #tpu.memory_space<hbm>>) target(%dma_start3A_67 : memref<32x128xf32, #tpu.memory_space<vmem>>) target_semaphore(%arg10 : memref<!tpu.dma_semaphore, #tpu.memory_space<semaphore_mem>>)
      %slice3A_70 = vector.extract_strided_slice %get3A_14 {offsets = [3], sizes = [1], strides = [1]} : vector<16xi32> to vector<1xi32>
      %squeeze3A_71 = vector.extract %slice3A_70[0] : i32 from vector<1xi32>
      %shift_right_logical3A_72 = arith.constant 7 : i32
      %shift_right_logical3A_73 = arith.shrui %squeeze3A_71, %shift_right_logical3A_72 : i32
      %mul3A_74 = arith.constant 128 : i32
      %mul3A_75 = arith.muli %shift_right_logical3A_73, %mul3A_74 : i32
      %multiple_of3A_76 = tpu.assume_multiple %mul3A_75, 128 : i32
      %dma_start3A_77 = arith.constant 3 : i32
      %dma_start3A_78 = arith.constant 0 : i32
      %dma_start3A_79 = arith.constant 0 : i32
      %dma_start3A_80 = tpu.memref_slice %arg6[%dma_start3A_77, %dma_start3A_78, %dma_start3A_79] : memref<8x32x128xf32, #tpu.memory_space<vmem>> -> memref<1x32x128xf32, #tpu.memory_space<vmem>>
      %dma_start3A_81 = tpu.memref_squeeze %dma_start3A_80 : memref<1x32x128xf32, #tpu.memory_space<vmem>> -> memref<32x128xf32, #tpu.memory_space<vmem>>
      %dma_start3A_82 = arith.constant 0 : i32
      %dma_start3A_83 = tpu.memref_slice %arg3[%dma_start3A_82, %multiple_of3A_76] : memref<32x1000000xf32, #tpu.memory_space<hbm>> -> memref<32x128xf32, #tpu.memory_space<hbm>>
      %dma_start3A_84 = arith.constant 0 : i32
      %dma_start3A_85 = arith.constant 0 : i32
      %dma_start3A_86 = tpu.memref_slice %arg6[%dma_start3A_77, %dma_start3A_84, %dma_start3A_85] : memref<8x32x128xf32, #tpu.memory_space<vmem>> -> memref<1x32x128xf32, #tpu.memory_space<vmem>>
      %dma_start3A_87 = tpu.memref_squeeze %dma_start3A_86 : memref<1x32x128xf32, #tpu.memory_space<vmem>> -> memref<32x128xf32, #tpu.memory_space<vmem>>
      %dma_start3A_88 = arith.constant 0 : i32
      %dma_start3A_89 = tpu.memref_slice %arg3[%dma_start3A_88, %multiple_of3A_76] : memref<32x1000000xf32, #tpu.memory_space<hbm>> -> memref<32x128xf32, #tpu.memory_space<hbm>>
      tpu.enqueue_dma source(%dma_start3A_89 : memref<32x128xf32, #tpu.memory_space<hbm>>) target(%dma_start3A_87 : memref<32x128xf32, #tpu.memory_space<vmem>>) target_semaphore(%arg11 : memref<!tpu.dma_semaphore, #tpu.memory_space<semaphore_mem>>)
      %slice3A_90 = vector.extract_strided_slice %get3A_14 {offsets = [4], sizes = [1], strides = [1]} : vector<16xi32> to vector<1xi32>
      %squeeze3A_91 = vector.extract %slice3A_90[0] : i32 from vector<1xi32>
      %shift_right_logical3A_92 = arith.constant 7 : i32
      %shift_right_logical3A_93 = arith.shrui %squeeze3A_91, %shift_right_logical3A_92 : i32
      %mul3A_94 = arith.constant 128 : i32
      %mul3A_95 = arith.muli %shift_right_logical3A_93, %mul3A_94 : i32
      %multiple_of3A_96 = tpu.assume_multiple %mul3A_95, 128 : i32
      %dma_start3A_97 = arith.constant 4 : i32
      %dma_start3A_98 = arith.constant 0 : i32
      %dma_start3A_99 = arith.constant 0 : i32
      %dma_start3A_100 = tpu.memref_slice %arg6[%dma_start3A_97, %dma_start3A_98, %dma_start3A_99] : memref<8x32x128xf32, #tpu.memory_space<vmem>> -> memref<1x32x128xf32, #tpu.memory_space<vmem>>
      %dma_start3A_101 = tpu.memref_squeeze %dma_start3A_100 : memref<1x32x128xf32, #tpu.memory_space<vmem>> -> memref<32x128xf32, #tpu.memory_space<vmem>>
      %dma_start3A_102 = arith.constant 0 : i32
      %dma_start3A_103 = tpu.memref_slice %arg3[%dma_start3A_102, %multiple_of3A_96] : memref<32x1000000xf32, #tpu.memory_space<hbm>> -> memref<32x128xf32, #tpu.memory_space<hbm>>
      %dma_start3A_104 = arith.constant 0 : i32
      %dma_start3A_105 = arith.constant 0 : i32
      %dma_start3A_106 = tpu.memref_slice %arg6[%dma_start3A_97, %dma_start3A_104, %dma_start3A_105] : memref<8x32x128xf32, #tpu.memory_space<vmem>> -> memref<1x32x128xf32, #tpu.memory_space<vmem>>
      %dma_start3A_107 = tpu.memref_squeeze %dma_start3A_106 : memref<1x32x128xf32, #tpu.memory_space<vmem>> -> memref<32x128xf32, #tpu.memory_space<vmem>>
      %dma_start3A_108 = arith.constant 0 : i32
      %dma_start3A_109 = tpu.memref_slice %arg3[%dma_start3A_108, %multiple_of3A_96] : memref<32x1000000xf32, #tpu.memory_space<hbm>> -> memref<32x128xf32, #tpu.memory_space<hbm>>
      tpu.enqueue_dma source(%dma_start3A_109 : memref<32x128xf32, #tpu.memory_space<hbm>>) target(%dma_start3A_107 : memref<32x128xf32, #tpu.memory_space<vmem>>) target_semaphore(%arg12 : memref<!tpu.dma_semaphore, #tpu.memory_space<semaphore_mem>>)
      %slice3A_110 = vector.extract_strided_slice %get3A_14 {offsets = [5], sizes = [1], strides = [1]} : vector<16xi32> to vector<1xi32>
      %squeeze3A_111 = vector.extract %slice3A_110[0] : i32 from vector<1xi32>
      %shift_right_logical3A_112 = arith.constant 7 : i32
      %shift_right_logical3A_113 = arith.shrui %squeeze3A_111, %shift_right_logical3A_112 : i32
      %mul3A_114 = arith.constant 128 : i32
      %mul3A_115 = arith.muli %shift_right_logical3A_113, %mul3A_114 : i32
      %multiple_of3A_116 = tpu.assume_multiple %mul3A_115, 128 : i32
      %dma_start3A_117 = arith.constant 5 : i32
      %dma_start3A_118 = arith.constant 0 : i32
      %dma_start3A_119 = arith.constant 0 : i32
      %dma_start3A_120 = tpu.memref_slice %arg6[%dma_start3A_117, %dma_start3A_118, %dma_start3A_119] : memref<8x32x128xf32, #tpu.memory_space<vmem>> -> memref<1x32x128xf32, #tpu.memory_space<vmem>>
      %dma_start3A_121 = tpu.memref_squeeze %dma_start3A_120 : memref<1x32x128xf32, #tpu.memory_space<vmem>> -> memref<32x128xf32, #tpu.memory_space<vmem>>
      %dma_start3A_122 = arith.constant 0 : i32
      %dma_start3A_123 = tpu.memref_slice %arg3[%dma_start3A_122, %multiple_of3A_116] : memref<32x1000000xf32, #tpu.memory_space<hbm>> -> memref<32x128xf32, #tpu.memory_space<hbm>>
      %dma_start3A_124 = arith.constant 0 : i32
      %dma_start3A_125 = arith.constant 0 : i32
      %dma_start3A_126 = tpu.memref_slice %arg6[%dma_start3A_117, %dma_start3A_124, %dma_start3A_125] : memref<8x32x128xf32, #tpu.memory_space<vmem>> -> memref<1x32x128xf32, #tpu.memory_space<vmem>>
      %dma_start3A_127 = tpu.memref_squeeze %dma_start3A_126 : memref<1x32x128xf32, #tpu.memory_space<vmem>> -> memref<32x128xf32, #tpu.memory_space<vmem>>
      %dma_start3A_128 = arith.constant 0 : i32
      %dma_start3A_129 = tpu.memref_slice %arg3[%dma_start3A_128, %multiple_of3A_116] : memref<32x1000000xf32, #tpu.memory_space<hbm>> -> memref<32x128xf32, #tpu.memory_space<hbm>>
      tpu.enqueue_dma source(%dma_start3A_129 : memref<32x128xf32, #tpu.memory_space<hbm>>) target(%dma_start3A_127 : memref<32x128xf32, #tpu.memory_space<vmem>>) target_semaphore(%arg13 : memref<!tpu.dma_semaphore, #tpu.memory_space<semaphore_mem>>)
      %slice3A_130 = vector.extract_strided_slice %get3A_14 {offsets = [6], sizes = [1], strides = [1]} : vector<16xi32> to vector<1xi32>
      %squeeze3A_131 = vector.extract %slice3A_130[0] : i32 from vector<1xi32>
      %shift_right_logical3A_132 = arith.constant 7 : i32
      %shift_right_logical3A_133 = arith.shrui %squeeze3A_131, %shift_right_logical3A_132 : i32
      %mul3A_134 = arith.constant 128 : i32
      %mul3A_135 = arith.muli %shift_right_logical3A_133, %mul3A_134 : i32
      %multiple_of3A_136 = tpu.assume_multiple %mul3A_135, 128 : i32
      %dma_start3A_137 = arith.constant 6 : i32
      %dma_start3A_138 = arith.constant 0 : i32
      %dma_start3A_139 = arith.constant 0 : i32
      %dma_start3A_140 = tpu.memref_slice %arg6[%dma_start3A_137, %dma_start3A_138, %dma_start3A_139] : memref<8x32x128xf32, #tpu.memory_space<vmem>> -> memref<1x32x128xf32, #tpu.memory_space<vmem>>
      %dma_start3A_141 = tpu.memref_squeeze %dma_start3A_140 : memref<1x32x128xf32, #tpu.memory_space<vmem>> -> memref<32x128xf32, #tpu.memory_space<vmem>>
      %dma_start3A_142 = arith.constant 0 : i32
      %dma_start3A_143 = tpu.memref_slice %arg3[%dma_start3A_142, %multiple_of3A_136] : memref<32x1000000xf32, #tpu.memory_space<hbm>> -> memref<32x128xf32, #tpu.memory_space<hbm>>
      %dma_start3A_144 = arith.constant 0 : i32
      %dma_start3A_145 = arith.constant 0 : i32
      %dma_start3A_146 = tpu.memref_slice %arg6[%dma_start3A_137, %dma_start3A_144, %dma_start3A_145] : memref<8x32x128xf32, #tpu.memory_space<vmem>> -> memref<1x32x128xf32, #tpu.memory_space<vmem>>
      %dma_start3A_147 = tpu.memref_squeeze %dma_start3A_146 : memref<1x32x128xf32, #tpu.memory_space<vmem>> -> memref<32x128xf32, #tpu.memory_space<vmem>>
      %dma_start3A_148 = arith.constant 0 : i32
      %dma_start3A_149 = tpu.memref_slice %arg3[%dma_start3A_148, %multiple_of3A_136] : memref<32x1000000xf32, #tpu.memory_space<hbm>> -> memref<32x128xf32, #tpu.memory_space<hbm>>
      tpu.enqueue_dma source(%dma_start3A_149 : memref<32x128xf32, #tpu.memory_space<hbm>>) target(%dma_start3A_147 : memref<32x128xf32, #tpu.memory_space<vmem>>) target_semaphore(%arg14 : memref<!tpu.dma_semaphore, #tpu.memory_space<semaphore_mem>>)
      %slice3A_150 = vector.extract_strided_slice %get3A_14 {offsets = [7], sizes = [1], strides = [1]} : vector<16xi32> to vector<1xi32>
      %squeeze3A_151 = vector.extract %slice3A_150[0] : i32 from vector<1xi32>
      %shift_right_logical3A_152 = arith.constant 7 : i32
      %shift_right_logical3A_153 = arith.shrui %squeeze3A_151, %shift_right_logical3A_152 : i32
      %mul3A_154 = arith.constant 128 : i32
      %mul3A_155 = arith.muli %shift_right_logical3A_153, %mul3A_154 : i32
      %multiple_of3A_156 = tpu.assume_multiple %mul3A_155, 128 : i32
      %dma_start3A_157 = arith.constant 7 : i32
      %dma_start3A_158 = arith.constant 0 : i32
      %dma_start3A_159 = arith.constant 0 : i32
      %dma_start3A_160 = tpu.memref_slice %arg6[%dma_start3A_157, %dma_start3A_158, %dma_start3A_159] : memref<8x32x128xf32, #tpu.memory_space<vmem>> -> memref<1x32x128xf32, #tpu.memory_space<vmem>>
      %dma_start3A_161 = tpu.memref_squeeze %dma_start3A_160 : memref<1x32x128xf32, #tpu.memory_space<vmem>> -> memref<32x128xf32, #tpu.memory_space<vmem>>
      %dma_start3A_162 = arith.constant 0 : i32
      %dma_start3A_163 = tpu.memref_slice %arg3[%dma_start3A_162, %multiple_of3A_156] : memref<32x1000000xf32, #tpu.memory_space<hbm>> -> memref<32x128xf32, #tpu.memory_space<hbm>>
      %dma_start3A_164 = arith.constant 0 : i32
      %dma_start3A_165 = arith.constant 0 : i32
      %dma_start3A_166 = tpu.memref_slice %arg6[%dma_start3A_157, %dma_start3A_164, %dma_start3A_165] : memref<8x32x128xf32, #tpu.memory_space<vmem>> -> memref<1x32x128xf32, #tpu.memory_space<vmem>>
      %dma_start3A_167 = tpu.memref_squeeze %dma_start3A_166 : memref<1x32x128xf32, #tpu.memory_space<vmem>> -> memref<32x128xf32, #tpu.memory_space<vmem>>
      %dma_start3A_168 = arith.constant 0 : i32
      %dma_start3A_169 = tpu.memref_slice %arg3[%dma_start3A_168, %multiple_of3A_156] : memref<32x1000000xf32, #tpu.memory_space<hbm>> -> memref<32x128xf32, #tpu.memory_space<hbm>>
      tpu.enqueue_dma source(%dma_start3A_169 : memref<32x128xf32, #tpu.memory_space<hbm>>) target(%dma_start3A_167 : memref<32x128xf32, #tpu.memory_space<vmem>>) target_semaphore(%arg15 : memref<!tpu.dma_semaphore, #tpu.memory_space<semaphore_mem>>)
      %slice3A_170 = vector.extract_strided_slice %get3A_14 {offsets = [0], sizes = [1], strides = [1]} : vector<16xi32> to vector<1xi32>
      %squeeze3A_171 = vector.extract %slice3A_170[0] : i32 from vector<1xi32>
      %mul3A_172 = arith.constant 16 : i32
      %mul3A_173 = arith.muli %scan3A_11, %mul3A_172 : i32
      %add3A_174 = arith.constant 0 : i32
      %add3A_175 = arith.addi %mul3A_173, %add3A_174 : i32
      %add3A_176 = arith.constant 0 : i32
      %add3A_177 = arith.addi %add3A_175, %add3A_176 : i32
      %dma_wait3A = arith.constant 0 : i32
      %dma_wait3A_178 = arith.constant 0 : i32
      %dma_wait3A_179 = arith.constant 0 : i32
      %dma_wait3A_180 = tpu.memref_slice %arg6[%dma_wait3A, %dma_wait3A_178, %dma_wait3A_179] : memref<8x32x128xf32, #tpu.memory_space<vmem>> -> memref<1x32x128xf32, #tpu.memory_space<vmem>>
      %dma_wait3A_181 = tpu.memref_squeeze %dma_wait3A_180 : memref<1x32x128xf32, #tpu.memory_space<vmem>> -> memref<32x128xf32, #tpu.memory_space<vmem>>
      %dma_wait3A_182 = arith.constant 0 : i32
      %dma_wait3A_183 = arith.constant 0 : i32
      %dma_wait3A_184 = tpu.memref_slice %arg3[%dma_wait3A_182, %dma_wait3A_183] : memref<32x1000000xf32, #tpu.memory_space<hbm>> -> memref<32x128xf32, #tpu.memory_space<hbm>>
      %dma_wait3A_185 = arith.constant 0 : i32
      %dma_wait3A_186 = arith.constant 0 : i32
      %dma_wait3A_187 = tpu.memref_slice %arg6[%dma_wait3A, %dma_wait3A_185, %dma_wait3A_186] : memref<8x32x128xf32, #tpu.memory_space<vmem>> -> memref<1x32x128xf32, #tpu.memory_space<vmem>>
      %dma_wait3A_188 = tpu.memref_squeeze %dma_wait3A_187 : memref<1x32x128xf32, #tpu.memory_space<vmem>> -> memref<32x128xf32, #tpu.memory_space<vmem>>
      %dma_wait3A_189 = arith.constant 0 : i32
      %dma_wait3A_190 = arith.constant 0 : i32
      %dma_wait3A_191 = tpu.memref_slice %arg3[%dma_wait3A_189, %dma_wait3A_190] : memref<32x1000000xf32, #tpu.memory_space<hbm>> -> memref<32x128xf32, #tpu.memory_space<hbm>>
      tpu.wait_dma2 semaphore(%arg8 : memref<!tpu.dma_semaphore, #tpu.memory_space<semaphore_mem>>) src(%dma_wait3A_191 : memref<32x128xf32, #tpu.memory_space<hbm>>) dst(%dma_wait3A_188 : memref<32x128xf32, #tpu.memory_space<vmem>>)
      %and3A = arith.constant 127 : i32
      %and3A_192 = arith.andi %squeeze3A_171, %and3A : i32
      %broadcast_in_dim3A = vector.broadcast %and3A_192 : i32 to vector<16xi32>
      %broadcast_in_dim3A_193 = vector.broadcast %add3A_177 : i32 to vector<16xi32>
      %gather3A = arith.constant 0 : i32
      %gather3A_194 = arith.constant 0 : i32
      %gather3A_195 = arith.constant 0 : i32
      %gather3A_196 = tpu.memref_slice %arg6[%gather3A, %gather3A_194, %gather3A_195] : memref<8x32x128xf32, #tpu.memory_space<vmem>> -> memref<1x32x128xf32, #tpu.memory_space<vmem>>
      %gather3A_197 = tpu.memref_squeeze %gather3A_196 : memref<1x32x128xf32, #tpu.memory_space<vmem>> -> memref<32x128xf32, #tpu.memory_space<vmem>>
      %gather3A_198 = tpu.vector_load_idx %gather3A_197[%iota3A, %broadcast_in_dim3A] : memref<32x128xf32, #tpu.memory_space<vmem>>[vector<16xi32>, vector<16xi32>], vector<16xf32>,
      %gather3A_199 = arith.constant 0 : i32
      %gather3A_200 = arith.constant 0 : i32
      %gather3A_201 = arith.constant 0 : i32
      %gather3A_202 = tpu.memref_slice %arg6[%gather3A_199, %gather3A_200, %gather3A_201] : memref<8x32x128xf32, #tpu.memory_space<vmem>> -> memref<1x32x128xf32, #tpu.memory_space<vmem>>
      %gather3A_203 = tpu.memref_squeeze %gather3A_202 : memref<1x32x128xf32, #tpu.memory_space<vmem>> -> memref<32x128xf32, #tpu.memory_space<vmem>>
      %gather3A_204 = tpu.vector_load_idx %gather3A_203[%add3A_5, %broadcast_in_dim3A] : memref<32x128xf32, #tpu.memory_space<vmem>>[vector<16xi32>, vector<16xi32>], vector<16xf32>,
      tpu.vector_store_idx %arg7[%broadcast_in_dim3A_193, %iota3A], %gather3A_198 : memref<512x32xf32, #tpu.memory_space<vmem>>[vector<16xi32>, vector<16xi32>], vector<16xf32>,
      tpu.vector_store_idx %arg7[%broadcast_in_dim3A_193, %add3A_5], %gather3A_204 : memref<512x32xf32, #tpu.memory_space<vmem>>[vector<16xi32>, vector<16xi32>], vector<16xf32>,
      %slice3A_205 = vector.extract_strided_slice %get3A_14 {offsets = [1], sizes = [1], strides = [1]} : vector<16xi32> to vector<1xi32>
      %squeeze3A_206 = vector.extract %slice3A_205[0] : i32 from vector<1xi32>
      %mul3A_207 = arith.constant 16 : i32
      %mul3A_208 = arith.muli %scan3A_11, %mul3A_207 : i32
      %add3A_209 = arith.constant 0 : i32
      %add3A_210 = arith.addi %mul3A_208, %add3A_209 : i32
      %add3A_211 = arith.constant 1 : i32
      %add3A_212 = arith.addi %add3A_210, %add3A_211 : i32
      %dma_wait3A_213 = arith.constant 1 : i32
      %dma_wait3A_214 = arith.constant 0 : i32
      %dma_wait3A_215 = arith.constant 0 : i32
      %dma_wait3A_216 = tpu.memref_slice %arg6[%dma_wait3A_213, %dma_wait3A_214, %dma_wait3A_215] : memref<8x32x128xf32, #tpu.memory_space<vmem>> -> memref<1x32x128xf32, #tpu.memory_space<vmem>>
      %dma_wait3A_217 = tpu.memref_squeeze %dma_wait3A_216 : memref<1x32x128xf32, #tpu.memory_space<vmem>> -> memref<32x128xf32, #tpu.memory_space<vmem>>
      %dma_wait3A_218 = arith.constant 0 : i32
      %dma_wait3A_219 = arith.constant 0 : i32
      %dma_wait3A_220 = tpu.memref_slice %arg3[%dma_wait3A_218, %dma_wait3A_219] : memref<32x1000000xf32, #tpu.memory_space<hbm>> -> memref<32x128xf32, #tpu.memory_space<hbm>>
      %dma_wait3A_221 = arith.constant 0 : i32
      %dma_wait3A_222 = arith.constant 0 : i32
      %dma_wait3A_223 = tpu.memref_slice %arg6[%dma_wait3A_213, %dma_wait3A_221, %dma_wait3A_222] : memref<8x32x128xf32, #tpu.memory_space<vmem>> -> memref<1x32x128xf32, #tpu.memory_space<vmem>>
      %dma_wait3A_224 = tpu.memref_squeeze %dma_wait3A_223 : memref<1x32x128xf32, #tpu.memory_space<vmem>> -> memref<32x128xf32, #tpu.memory_space<vmem>>
      %dma_wait3A_225 = arith.constant 0 : i32
      %dma_wait3A_226 = arith.constant 0 : i32
      %dma_wait3A_227 = tpu.memref_slice %arg3[%dma_wait3A_225, %dma_wait3A_226] : memref<32x1000000xf32, #tpu.memory_space<hbm>> -> memref<32x128xf32, #tpu.memory_space<hbm>>
      tpu.wait_dma2 semaphore(%arg9 : memref<!tpu.dma_semaphore, #tpu.memory_space<semaphore_mem>>) src(%dma_wait3A_227 : memref<32x128xf32, #tpu.memory_space<hbm>>) dst(%dma_wait3A_224 : memref<32x128xf32, #tpu.memory_space<vmem>>)
      %and3A_228 = arith.constant 127 : i32
      %and3A_229 = arith.andi %squeeze3A_206, %and3A_228 : i32
      %broadcast_in_dim3A_230 = vector.broadcast %and3A_229 : i32 to vector<16xi32>
      %broadcast_in_dim3A_231 = vector.broadcast %add3A_212 : i32 to vector<16xi32>
      %gather3A_232 = arith.constant 1 : i32
      %gather3A_233 = arith.constant 0 : i32
      %gather3A_234 = arith.constant 0 : i32
      %gather3A_235 = tpu.memref_slice %arg6[%gather3A_232, %gather3A_233, %gather3A_234] : memref<8x32x128xf32, #tpu.memory_space<vmem>> -> memref<1x32x128xf32, #tpu.memory_space<vmem>>
      %gather3A_236 = tpu.memref_squeeze %gather3A_235 : memref<1x32x128xf32, #tpu.memory_space<vmem>> -> memref<32x128xf32, #tpu.memory_space<vmem>>
      %gather3A_237 = tpu.vector_load_idx %gather3A_236[%iota3A, %broadcast_in_dim3A_230] : memref<32x128xf32, #tpu.memory_space<vmem>>[vector<16xi32>, vector<16xi32>], vector<16xf32>,
      %gather3A_238 = arith.constant 1 : i32
      %gather3A_239 = arith.constant 0 : i32
      %gather3A_240 = arith.constant 0 : i32
      %gather3A_241 = tpu.memref_slice %arg6[%gather3A_238, %gather3A_239, %gather3A_240] : memref<8x32x128xf32, #tpu.memory_space<vmem>> -> memref<1x32x128xf32, #tpu.memory_space<vmem>>
      %gather3A_242 = tpu.memref_squeeze %gather3A_241 : memref<1x32x128xf32, #tpu.memory_space<vmem>> -> memref<32x128xf32, #tpu.memory_space<vmem>>
      %gather3A_243 = tpu.vector_load_idx %gather3A_242[%add3A_5, %broadcast_in_dim3A_230] : memref<32x128xf32, #tpu.memory_space<vmem>>[vector<16xi32>, vector<16xi32>], vector<16xf32>,
      tpu.vector_store_idx %arg7[%broadcast_in_dim3A_231, %iota3A], %gather3A_237 : memref<512x32xf32, #tpu.memory_space<vmem>>[vector<16xi32>, vector<16xi32>], vector<16xf32>,
      tpu.vector_store_idx %arg7[%broadcast_in_dim3A_231, %add3A_5], %gather3A_243 : memref<512x32xf32, #tpu.memory_space<vmem>>[vector<16xi32>, vector<16xi32>], vector<16xf32>,
      %slice3A_244 = vector.extract_strided_slice %get3A_14 {offsets = [2], sizes = [1], strides = [1]} : vector<16xi32> to vector<1xi32>
      %squeeze3A_245 = vector.extract %slice3A_244[0] : i32 from vector<1xi32>
      %mul3A_246 = arith.constant 16 : i32
      %mul3A_247 = arith.muli %scan3A_11, %mul3A_246 : i32
      %add3A_248 = arith.constant 0 : i32
      %add3A_249 = arith.addi %mul3A_247, %add3A_248 : i32
      %add3A_250 = arith.constant 2 : i32
      %add3A_251 = arith.addi %add3A_249, %add3A_250 : i32
      %dma_wait3A_252 = arith.constant 2 : i32
      %dma_wait3A_253 = arith.constant 0 : i32
      %dma_wait3A_254 = arith.constant 0 : i32
      %dma_wait3A_255 = tpu.memref_slice %arg6[%dma_wait3A_252, %dma_wait3A_253, %dma_wait3A_254] : memref<8x32x128xf32, #tpu.memory_space<vmem>> -> memref<1x32x128xf32, #tpu.memory_space<vmem>>
      %dma_wait3A_256 = tpu.memref_squeeze %dma_wait3A_255 : memref<1x32x128xf32, #tpu.memory_space<vmem>> -> memref<32x128xf32, #tpu.memory_space<vmem>>
      %dma_wait3A_257 = arith.constant 0 : i32
      %dma_wait3A_258 = arith.constant 0 : i32
      %dma_wait3A_259 = tpu.memref_slice %arg3[%dma_wait3A_257, %dma_wait3A_258] : memref<32x1000000xf32, #tpu.memory_space<hbm>> -> memref<32x128xf32, #tpu.memory_space<hbm>>
      %dma_wait3A_260 = arith.constant 0 : i32
      %dma_wait3A_261 = arith.constant 0 : i32
      %dma_wait3A_262 = tpu.memref_slice %arg6[%dma_wait3A_252, %dma_wait3A_260, %dma_wait3A_261] : memref<8x32x128xf32, #tpu.memory_space<vmem>> -> memref<1x32x128xf32, #tpu.memory_space<vmem>>
      %dma_wait3A_263 = tpu.memref_squeeze %dma_wait3A_262 : memref<1x32x128xf32, #tpu.memory_space<vmem>> -> memref<32x128xf32, #tpu.memory_space<vmem>>
      %dma_wait3A_264 = arith.constant 0 : i32
      %dma_wait3A_265 = arith.constant 0 : i32
      %dma_wait3A_266 = tpu.memref_slice %arg3[%dma_wait3A_264, %dma_wait3A_265] : memref<32x1000000xf32, #tpu.memory_space<hbm>> -> memref<32x128xf32, #tpu.memory_space<hbm>>
      tpu.wait_dma2 semaphore(%arg10 : memref<!tpu.dma_semaphore, #tpu.memory_space<semaphore_mem>>) src(%dma_wait3A_266 : memref<32x128xf32, #tpu.memory_space<hbm>>) dst(%dma_wait3A_263 : memref<32x128xf32, #tpu.memory_space<vmem>>)
      %and3A_267 = arith.constant 127 : i32
      %and3A_268 = arith.andi %squeeze3A_245, %and3A_267 : i32
      %broadcast_in_dim3A_269 = vector.broadcast %and3A_268 : i32 to vector<16xi32>
      %broadcast_in_dim3A_270 = vector.broadcast %add3A_251 : i32 to vector<16xi32>
      %gather3A_271 = arith.constant 2 : i32
      %gather3A_272 = arith.constant 0 : i32
      %gather3A_273 = arith.constant 0 : i32
      %gather3A_274 = tpu.memref_slice %arg6[%gather3A_271, %gather3A_272, %gather3A_273] : memref<8x32x128xf32, #tpu.memory_space<vmem>> -> memref<1x32x128xf32, #tpu.memory_space<vmem>>
      %gather3A_275 = tpu.memref_squeeze %gather3A_274 : memref<1x32x128xf32, #tpu.memory_space<vmem>> -> memref<32x128xf32, #tpu.memory_space<vmem>>
      %gather3A_276 = tpu.vector_load_idx %gather3A_275[%iota3A, %broadcast_in_dim3A_269] : memref<32x128xf32, #tpu.memory_space<vmem>>[vector<16xi32>, vector<16xi32>], vector<16xf32>,
      %gather3A_277 = arith.constant 2 : i32
      %gather3A_278 = arith.constant 0 : i32
      %gather3A_279 = arith.constant 0 : i32
      %gather3A_280 = tpu.memref_slice %arg6[%gather3A_277, %gather3A_278, %gather3A_279] : memref<8x32x128xf32, #tpu.memory_space<vmem>> -> memref<1x32x128xf32, #tpu.memory_space<vmem>>
      %gather3A_281 = tpu.memref_squeeze %gather3A_280 : memref<1x32x128xf32, #tpu.memory_space<vmem>> -> memref<32x128xf32, #tpu.memory_space<vmem>>
      %gather3A_282 = tpu.vector_load_idx %gather3A_281[%add3A_5, %broadcast_in_dim3A_269] : memref<32x128xf32, #tpu.memory_space<vmem>>[vector<16xi32>, vector<16xi32>], vector<16xf32>,
      tpu.vector_store_idx %arg7[%broadcast_in_dim3A_270, %iota3A], %gather3A_276 : memref<512x32xf32, #tpu.memory_space<vmem>>[vector<16xi32>, vector<16xi32>], vector<16xf32>,
      tpu.vector_store_idx %arg7[%broadcast_in_dim3A_270, %add3A_5], %gather3A_282 : memref<512x32xf32, #tpu.memory_space<vmem>>[vector<16xi32>, vector<16xi32>], vector<16xf32>,
      %slice3A_283 = vector.extract_strided_slice %get3A_14 {offsets = [3], sizes = [1], strides = [1]} : vector<16xi32> to vector<1xi32>
      %squeeze3A_284 = vector.extract %slice3A_283[0] : i32 from vector<1xi32>
      %mul3A_285 = arith.constant 16 : i32
      %mul3A_286 = arith.muli %scan3A_11, %mul3A_285 : i32
      %add3A_287 = arith.constant 0 : i32
      %add3A_288 = arith.addi %mul3A_286, %add3A_287 : i32
      %add3A_289 = arith.constant 3 : i32
      %add3A_290 = arith.addi %add3A_288, %add3A_289 : i32
      %dma_wait3A_291 = arith.constant 3 : i32
      %dma_wait3A_292 = arith.constant 0 : i32
      %dma_wait3A_293 = arith.constant 0 : i32
      %dma_wait3A_294 = tpu.memref_slice %arg6[%dma_wait3A_291, %dma_wait3A_292, %dma_wait3A_293] : memref<8x32x128xf32, #tpu.memory_space<vmem>> -> memref<1x32x128xf32, #tpu.memory_space<vmem>>
      %dma_wait3A_295 = tpu.memref_squeeze %dma_wait3A_294 : memref<1x32x128xf32, #tpu.memory_space<vmem>> -> memref<32x128xf32, #tpu.memory_space<vmem>>
      %dma_wait3A_296 = arith.constant 0 : i32
      %dma_wait3A_297 = arith.constant 0 : i32
      %dma_wait3A_298 = tpu.memref_slice %arg3[%dma_wait3A_296, %dma_wait3A_297] : memref<32x1000000xf32, #tpu.memory_space<hbm>> -> memref<32x128xf32, #tpu.memory_space<hbm>>
      %dma_wait3A_299 = arith.constant 0 : i32
      %dma_wait3A_300 = arith.constant 0 : i32
      %dma_wait3A_301 = tpu.memref_slice %arg6[%dma_wait3A_291, %dma_wait3A_299, %dma_wait3A_300] : memref<8x32x128xf32, #tpu.memory_space<vmem>> -> memref<1x32x128xf32, #tpu.memory_space<vmem>>
      %dma_wait3A_302 = tpu.memref_squeeze %dma_wait3A_301 : memref<1x32x128xf32, #tpu.memory_space<vmem>> -> memref<32x128xf32, #tpu.memory_space<vmem>>
      %dma_wait3A_303 = arith.constant 0 : i32
      %dma_wait3A_304 = arith.constant 0 : i32
      %dma_wait3A_305 = tpu.memref_slice %arg3[%dma_wait3A_303, %dma_wait3A_304] : memref<32x1000000xf32, #tpu.memory_space<hbm>> -> memref<32x128xf32, #tpu.memory_space<hbm>>
      tpu.wait_dma2 semaphore(%arg11 : memref<!tpu.dma_semaphore, #tpu.memory_space<semaphore_mem>>) src(%dma_wait3A_305 : memref<32x128xf32, #tpu.memory_space<hbm>>) dst(%dma_wait3A_302 : memref<32x128xf32, #tpu.memory_space<vmem>>)
      %and3A_306 = arith.constant 127 : i32
      %and3A_307 = arith.andi %squeeze3A_284, %and3A_306 : i32
      %broadcast_in_dim3A_308 = vector.broadcast %and3A_307 : i32 to vector<16xi32>
      %broadcast_in_dim3A_309 = vector.broadcast %add3A_290 : i32 to vector<16xi32>
      %gather3A_310 = arith.constant 3 : i32
      %gather3A_311 = arith.constant 0 : i32
      %gather3A_312 = arith.constant 0 : i32
      %gather3A_313 = tpu.memref_slice %arg6[%gather3A_310, %gather3A_311, %gather3A_312] : memref<8x32x128xf32, #tpu.memory_space<vmem>> -> memref<1x32x128xf32, #tpu.memory_space<vmem>>
      %gather3A_314 = tpu.memref_squeeze %gather3A_313 : memref<1x32x128xf32, #tpu.memory_space<vmem>> -> memref<32x128xf32, #tpu.memory_space<vmem>>
      %gather3A_315 = tpu.vector_load_idx %gather3A_314[%iota3A, %broadcast_in_dim3A_308] : memref<32x128xf32, #tpu.memory_space<vmem>>[vector<16xi32>, vector<16xi32>], vector<16xf32>,
      %gather3A_316 = arith.constant 3 : i32
      %gather3A_317 = arith.constant 0 : i32
      %gather3A_318 = arith.constant 0 : i32
      %gather3A_319 = tpu.memref_slice %arg6[%gather3A_316, %gather3A_317, %gather3A_318] : memref<8x32x128xf32, #tpu.memory_space<vmem>> -> memref<1x32x128xf32, #tpu.memory_space<vmem>>
      %gather3A_320 = tpu.memref_squeeze %gather3A_319 : memref<1x32x128xf32, #tpu.memory_space<vmem>> -> memref<32x128xf32, #tpu.memory_space<vmem>>
      %gather3A_321 = tpu.vector_load_idx %gather3A_320[%add3A_5, %broadcast_in_dim3A_308] : memref<32x128xf32, #tpu.memory_space<vmem>>[vector<16xi32>, vector<16xi32>], vector<16xf32>,
      tpu.vector_store_idx %arg7[%broadcast_in_dim3A_309, %iota3A], %gather3A_315 : memref<512x32xf32, #tpu.memory_space<vmem>>[vector<16xi32>, vector<16xi32>], vector<16xf32>,
      tpu.vector_store_idx %arg7[%broadcast_in_dim3A_309, %add3A_5], %gather3A_321 : memref<512x32xf32, #tpu.memory_space<vmem>>[vector<16xi32>, vector<16xi32>], vector<16xf32>,
      %slice3A_322 = vector.extract_strided_slice %get3A_14 {offsets = [4], sizes = [1], strides = [1]} : vector<16xi32> to vector<1xi32>
      %squeeze3A_323 = vector.extract %slice3A_322[0] : i32 from vector<1xi32>
      %mul3A_324 = arith.constant 16 : i32
      %mul3A_325 = arith.muli %scan3A_11, %mul3A_324 : i32
      %add3A_326 = arith.constant 0 : i32
      %add3A_327 = arith.addi %mul3A_325, %add3A_326 : i32
      %add3A_328 = arith.constant 4 : i32
      %add3A_329 = arith.addi %add3A_327, %add3A_328 : i32
      %dma_wait3A_330 = arith.constant 4 : i32
      %dma_wait3A_331 = arith.constant 0 : i32
      %dma_wait3A_332 = arith.constant 0 : i32
      %dma_wait3A_333 = tpu.memref_slice %arg6[%dma_wait3A_330, %dma_wait3A_331, %dma_wait3A_332] : memref<8x32x128xf32, #tpu.memory_space<vmem>> -> memref<1x32x128xf32, #tpu.memory_space<vmem>>
      %dma_wait3A_334 = tpu.memref_squeeze %dma_wait3A_333 : memref<1x32x128xf32, #tpu.memory_space<vmem>> -> memref<32x128xf32, #tpu.memory_space<vmem>>
      %dma_wait3A_335 = arith.constant 0 : i32
      %dma_wait3A_336 = arith.constant 0 : i32
      %dma_wait3A_337 = tpu.memref_slice %arg3[%dma_wait3A_335, %dma_wait3A_336] : memref<32x1000000xf32, #tpu.memory_space<hbm>> -> memref<32x128xf32, #tpu.memory_space<hbm>>
      %dma_wait3A_338 = arith.constant 0 : i32
      %dma_wait3A_339 = arith.constant 0 : i32
      %dma_wait3A_340 = tpu.memref_slice %arg6[%dma_wait3A_330, %dma_wait3A_338, %dma_wait3A_339] : memref<8x32x128xf32, #tpu.memory_space<vmem>> -> memref<1x32x128xf32, #tpu.memory_space<vmem>>
      %dma_wait3A_341 = tpu.memref_squeeze %dma_wait3A_340 : memref<1x32x128xf32, #tpu.memory_space<vmem>> -> memref<32x128xf32, #tpu.memory_space<vmem>>
      %dma_wait3A_342 = arith.constant 0 : i32
      %dma_wait3A_343 = arith.constant 0 : i32
      %dma_wait3A_344 = tpu.memref_slice %arg3[%dma_wait3A_342, %dma_wait3A_343] : memref<32x1000000xf32, #tpu.memory_space<hbm>> -> memref<32x128xf32, #tpu.memory_space<hbm>>
      tpu.wait_dma2 semaphore(%arg12 : memref<!tpu.dma_semaphore, #tpu.memory_space<semaphore_mem>>) src(%dma_wait3A_344 : memref<32x128xf32, #tpu.memory_space<hbm>>) dst(%dma_wait3A_341 : memref<32x128xf32, #tpu.memory_space<vmem>>)
      %and3A_345 = arith.constant 127 : i32
      %and3A_346 = arith.andi %squeeze3A_323, %and3A_345 : i32
      %broadcast_in_dim3A_347 = vector.broadcast %and3A_346 : i32 to vector<16xi32>
      %broadcast_in_dim3A_348 = vector.broadcast %add3A_329 : i32 to vector<16xi32>
      %gather3A_349 = arith.constant 4 : i32
      %gather3A_350 = arith.constant 0 : i32
      %gather3A_351 = arith.constant 0 : i32
      %gather3A_352 = tpu.memref_slice %arg6[%gather3A_349, %gather3A_350, %gather3A_351] : memref<8x32x128xf32, #tpu.memory_space<vmem>> -> memref<1x32x128xf32, #tpu.memory_space<vmem>>
      %gather3A_353 = tpu.memref_squeeze %gather3A_352 : memref<1x32x128xf32, #tpu.memory_space<vmem>> -> memref<32x128xf32, #tpu.memory_space<vmem>>
      %gather3A_354 = tpu.vector_load_idx %gather3A_353[%iota3A, %broadcast_in_dim3A_347] : memref<32x128xf32, #tpu.memory_space<vmem>>[vector<16xi32>, vector<16xi32>], vector<16xf32>,
      %gather3A_355 = arith.constant 4 : i32
      %gather3A_356 = arith.constant 0 : i32
      %gather3A_357 = arith.constant 0 : i32
      %gather3A_358 = tpu.memref_slice %arg6[%gather3A_355, %gather3A_356, %gather3A_357] : memref<8x32x128xf32, #tpu.memory_space<vmem>> -> memref<1x32x128xf32, #tpu.memory_space<vmem>>
      %gather3A_359 = tpu.memref_squeeze %gather3A_358 : memref<1x32x128xf32, #tpu.memory_space<vmem>> -> memref<32x128xf32, #tpu.memory_space<vmem>>
      %gather3A_360 = tpu.vector_load_idx %gather3A_359[%add3A_5, %broadcast_in_dim3A_347] : memref<32x128xf32, #tpu.memory_space<vmem>>[vector<16xi32>, vector<16xi32>], vector<16xf32>,
      tpu.vector_store_idx %arg7[%broadcast_in_dim3A_348, %iota3A], %gather3A_354 : memref<512x32xf32, #tpu.memory_space<vmem>>[vector<16xi32>, vector<16xi32>], vector<16xf32>,
      tpu.vector_store_idx %arg7[%broadcast_in_dim3A_348, %add3A_5], %gather3A_360 : memref<512x32xf32, #tpu.memory_space<vmem>>[vector<16xi32>, vector<16xi32>], vector<16xf32>,
      %slice3A_361 = vector.extract_strided_slice %get3A_14 {offsets = [5], sizes = [1], strides = [1]} : vector<16xi32> to vector<1xi32>
      %squeeze3A_362 = vector.extract %slice3A_361[0] : i32 from vector<1xi32>
      %mul3A_363 = arith.constant 16 : i32
      %mul3A_364 = arith.muli %scan3A_11, %mul3A_363 : i32
      %add3A_365 = arith.constant 0 : i32
      %add3A_366 = arith.addi %mul3A_364, %add3A_365 : i32
      %add3A_367 = arith.constant 5 : i32
      %add3A_368 = arith.addi %add3A_366, %add3A_367 : i32
      %dma_wait3A_369 = arith.constant 5 : i32
      %dma_wait3A_370 = arith.constant 0 : i32
      %dma_wait3A_371 = arith.constant 0 : i32
      %dma_wait3A_372 = tpu.memref_slice %arg6[%dma_wait3A_369, %dma_wait3A_370, %dma_wait3A_371] : memref<8x32x128xf32, #tpu.memory_space<vmem>> -> memref<1x32x128xf32, #tpu.memory_space<vmem>>
      %dma_wait3A_373 = tpu.memref_squeeze %dma_wait3A_372 : memref<1x32x128xf32, #tpu.memory_space<vmem>> -> memref<32x128xf32, #tpu.memory_space<vmem>>
      %dma_wait3A_374 = arith.constant 0 : i32
      %dma_wait3A_375 = arith.constant 0 : i32
      %dma_wait3A_376 = tpu.memref_slice %arg3[%dma_wait3A_374, %dma_wait3A_375] : memref<32x1000000xf32, #tpu.memory_space<hbm>> -> memref<32x128xf32, #tpu.memory_space<hbm>>
      %dma_wait3A_377 = arith.constant 0 : i32
      %dma_wait3A_378 = arith.constant 0 : i32
      %dma_wait3A_379 = tpu.memref_slice %arg6[%dma_wait3A_369, %dma_wait3A_377, %dma_wait3A_378] : memref<8x32x128xf32, #tpu.memory_space<vmem>> -> memref<1x32x128xf32, #tpu.memory_space<vmem>>
      %dma_wait3A_380 = tpu.memref_squeeze %dma_wait3A_379 : memref<1x32x128xf32, #tpu.memory_space<vmem>> -> memref<32x128xf32, #tpu.memory_space<vmem>>
      %dma_wait3A_381 = arith.constant 0 : i32
      %dma_wait3A_382 = arith.constant 0 : i32
      %dma_wait3A_383 = tpu.memref_slice %arg3[%dma_wait3A_381, %dma_wait3A_382] : memref<32x1000000xf32, #tpu.memory_space<hbm>> -> memref<32x128xf32, #tpu.memory_space<hbm>>
      tpu.wait_dma2 semaphore(%arg13 : memref<!tpu.dma_semaphore, #tpu.memory_space<semaphore_mem>>) src(%dma_wait3A_383 : memref<32x128xf32, #tpu.memory_space<hbm>>) dst(%dma_wait3A_380 : memref<32x128xf32, #tpu.memory_space<vmem>>)
      %and3A_384 = arith.constant 127 : i32
      %and3A_385 = arith.andi %squeeze3A_362, %and3A_384 : i32
      %broadcast_in_dim3A_386 = vector.broadcast %and3A_385 : i32 to vector<16xi32>
      %broadcast_in_dim3A_387 = vector.broadcast %add3A_368 : i32 to vector<16xi32>
      %gather3A_388 = arith.constant 5 : i32
      %gather3A_389 = arith.constant 0 : i32
      %gather3A_390 = arith.constant 0 : i32
      %gather3A_391 = tpu.memref_slice %arg6[%gather3A_388, %gather3A_389, %gather3A_390] : memref<8x32x128xf32, #tpu.memory_space<vmem>> -> memref<1x32x128xf32, #tpu.memory_space<vmem>>
      %gather3A_392 = tpu.memref_squeeze %gather3A_391 : memref<1x32x128xf32, #tpu.memory_space<vmem>> -> memref<32x128xf32, #tpu.memory_space<vmem>>
      %gather3A_393 = tpu.vector_load_idx %gather3A_392[%iota3A, %broadcast_in_dim3A_386] : memref<32x128xf32, #tpu.memory_space<vmem>>[vector<16xi32>, vector<16xi32>], vector<16xf32>,
      %gather3A_394 = arith.constant 5 : i32
      %gather3A_395 = arith.constant 0 : i32
      %gather3A_396 = arith.constant 0 : i32
      %gather3A_397 = tpu.memref_slice %arg6[%gather3A_394, %gather3A_395, %gather3A_396] : memref<8x32x128xf32, #tpu.memory_space<vmem>> -> memref<1x32x128xf32, #tpu.memory_space<vmem>>
      %gather3A_398 = tpu.memref_squeeze %gather3A_397 : memref<1x32x128xf32, #tpu.memory_space<vmem>> -> memref<32x128xf32, #tpu.memory_space<vmem>>
      %gather3A_399 = tpu.vector_load_idx %gather3A_398[%add3A_5, %broadcast_in_dim3A_386] : memref<32x128xf32, #tpu.memory_space<vmem>>[vector<16xi32>, vector<16xi32>], vector<16xf32>,
      tpu.vector_store_idx %arg7[%broadcast_in_dim3A_387, %iota3A], %gather3A_393 : memref<512x32xf32, #tpu.memory_space<vmem>>[vector<16xi32>, vector<16xi32>], vector<16xf32>,
      tpu.vector_store_idx %arg7[%broadcast_in_dim3A_387, %add3A_5], %gather3A_399 : memref<512x32xf32, #tpu.memory_space<vmem>>[vector<16xi32>, vector<16xi32>], vector<16xf32>,
      %slice3A_400 = vector.extract_strided_slice %get3A_14 {offsets = [6], sizes = [1], strides = [1]} : vector<16xi32> to vector<1xi32>
      %squeeze3A_401 = vector.extract %slice3A_400[0] : i32 from vector<1xi32>
      %mul3A_402 = arith.constant 16 : i32
      %mul3A_403 = arith.muli %scan3A_11, %mul3A_402 : i32
      %add3A_404 = arith.constant 0 : i32
      %add3A_405 = arith.addi %mul3A_403, %add3A_404 : i32
      %add3A_406 = arith.constant 6 : i32
      %add3A_407 = arith.addi %add3A_405, %add3A_406 : i32
      %dma_wait3A_408 = arith.constant 6 : i32
      %dma_wait3A_409 = arith.constant 0 : i32
      %dma_wait3A_410 = arith.constant 0 : i32
      %dma_wait3A_411 = tpu.memref_slice %arg6[%dma_wait3A_408, %dma_wait3A_409, %dma_wait3A_410] : memref<8x32x128xf32, #tpu.memory_space<vmem>> -> memref<1x32x128xf32, #tpu.memory_space<vmem>>
      %dma_wait3A_412 = tpu.memref_squeeze %dma_wait3A_411 : memref<1x32x128xf32, #tpu.memory_space<vmem>> -> memref<32x128xf32, #tpu.memory_space<vmem>>
      %dma_wait3A_413 = arith.constant 0 : i32
      %dma_wait3A_414 = arith.constant 0 : i32
      %dma_wait3A_415 = tpu.memref_slice %arg3[%dma_wait3A_413, %dma_wait3A_414] : memref<32x1000000xf32, #tpu.memory_space<hbm>> -> memref<32x128xf32, #tpu.memory_space<hbm>>
      %dma_wait3A_416 = arith.constant 0 : i32
      %dma_wait3A_417 = arith.constant 0 : i32
      %dma_wait3A_418 = tpu.memref_slice %arg6[%dma_wait3A_408, %dma_wait3A_416, %dma_wait3A_417] : memref<8x32x128xf32, #tpu.memory_space<vmem>> -> memref<1x32x128xf32, #tpu.memory_space<vmem>>
      %dma_wait3A_419 = tpu.memref_squeeze %dma_wait3A_418 : memref<1x32x128xf32, #tpu.memory_space<vmem>> -> memref<32x128xf32, #tpu.memory_space<vmem>>
      %dma_wait3A_420 = arith.constant 0 : i32
      %dma_wait3A_421 = arith.constant 0 : i32
      %dma_wait3A_422 = tpu.memref_slice %arg3[%dma_wait3A_420, %dma_wait3A_421] : memref<32x1000000xf32, #tpu.memory_space<hbm>> -> memref<32x128xf32, #tpu.memory_space<hbm>>
      tpu.wait_dma2 semaphore(%arg14 : memref<!tpu.dma_semaphore, #tpu.memory_space<semaphore_mem>>) src(%dma_wait3A_422 : memref<32x128xf32, #tpu.memory_space<hbm>>) dst(%dma_wait3A_419 : memref<32x128xf32, #tpu.memory_space<vmem>>)
      %and3A_423 = arith.constant 127 : i32
      %and3A_424 = arith.andi %squeeze3A_401, %and3A_423 : i32
      %broadcast_in_dim3A_425 = vector.broadcast %and3A_424 : i32 to vector<16xi32>
      %broadcast_in_dim3A_426 = vector.broadcast %add3A_407 : i32 to vector<16xi32>
      %gather3A_427 = arith.constant 6 : i32
      %gather3A_428 = arith.constant 0 : i32
      %gather3A_429 = arith.constant 0 : i32
      %gather3A_430 = tpu.memref_slice %arg6[%gather3A_427, %gather3A_428, %gather3A_429] : memref<8x32x128xf32, #tpu.memory_space<vmem>> -> memref<1x32x128xf32, #tpu.memory_space<vmem>>
      %gather3A_431 = tpu.memref_squeeze %gather3A_430 : memref<1x32x128xf32, #tpu.memory_space<vmem>> -> memref<32x128xf32, #tpu.memory_space<vmem>>
      %gather3A_432 = tpu.vector_load_idx %gather3A_431[%iota3A, %broadcast_in_dim3A_425] : memref<32x128xf32, #tpu.memory_space<vmem>>[vector<16xi32>, vector<16xi32>], vector<16xf32>,
      %gather3A_433 = arith.constant 6 : i32
      %gather3A_434 = arith.constant 0 : i32
      %gather3A_435 = arith.constant 0 : i32
      %gather3A_436 = tpu.memref_slice %arg6[%gather3A_433, %gather3A_434, %gather3A_435] : memref<8x32x128xf32, #tpu.memory_space<vmem>> -> memref<1x32x128xf32, #tpu.memory_space<vmem>>
      %gather3A_437 = tpu.memref_squeeze %gather3A_436 : memref<1x32x128xf32, #tpu.memory_space<vmem>> -> memref<32x128xf32, #tpu.memory_space<vmem>>
      %gather3A_438 = tpu.vector_load_idx %gather3A_437[%add3A_5, %broadcast_in_dim3A_425] : memref<32x128xf32, #tpu.memory_space<vmem>>[vector<16xi32>, vector<16xi32>], vector<16xf32>,
      tpu.vector_store_idx %arg7[%broadcast_in_dim3A_426, %iota3A], %gather3A_432 : memref<512x32xf32, #tpu.memory_space<vmem>>[vector<16xi32>, vector<16xi32>], vector<16xf32>,
      tpu.vector_store_idx %arg7[%broadcast_in_dim3A_426, %add3A_5], %gather3A_438 : memref<512x32xf32, #tpu.memory_space<vmem>>[vector<16xi32>, vector<16xi32>], vector<16xf32>,
      %slice3A_439 = vector.extract_strided_slice %get3A_14 {offsets = [7], sizes = [1], strides = [1]} : vector<16xi32> to vector<1xi32>
      %squeeze3A_440 = vector.extract %slice3A_439[0] : i32 from vector<1xi32>
      %mul3A_441 = arith.constant 16 : i32
      %mul3A_442 = arith.muli %scan3A_11, %mul3A_441 : i32
      %add3A_443 = arith.constant 0 : i32
      %add3A_444 = arith.addi %mul3A_442, %add3A_443 : i32
      %add3A_445 = arith.constant 7 : i32
      %add3A_446 = arith.addi %add3A_444, %add3A_445 : i32
      %dma_wait3A_447 = arith.constant 7 : i32
      %dma_wait3A_448 = arith.constant 0 : i32
      %dma_wait3A_449 = arith.constant 0 : i32
      %dma_wait3A_450 = tpu.memref_slice %arg6[%dma_wait3A_447, %dma_wait3A_448, %dma_wait3A_449] : memref<8x32x128xf32, #tpu.memory_space<vmem>> -> memref<1x32x128xf32, #tpu.memory_space<vmem>>
      %dma_wait3A_451 = tpu.memref_squeeze %dma_wait3A_450 : memref<1x32x128xf32, #tpu.memory_space<vmem>> -> memref<32x128xf32, #tpu.memory_space<vmem>>
      %dma_wait3A_452 = arith.constant 0 : i32
      %dma_wait3A_453 = arith.constant 0 : i32
      %dma_wait3A_454 = tpu.memref_slice %arg3[%dma_wait3A_452, %dma_wait3A_453] : memref<32x1000000xf32, #tpu.memory_space<hbm>> -> memref<32x128xf32, #tpu.memory_space<hbm>>
      %dma_wait3A_455 = arith.constant 0 : i32
      %dma_wait3A_456 = arith.constant 0 : i32
      %dma_wait3A_457 = tpu.memref_slice %arg6[%dma_wait3A_447, %dma_wait3A_455, %dma_wait3A_456] : memref<8x32x128xf32, #tpu.memory_space<vmem>> -> memref<1x32x128xf32, #tpu.memory_space<vmem>>
      %dma_wait3A_458 = tpu.memref_squeeze %dma_wait3A_457 : memref<1x32x128xf32, #tpu.memory_space<vmem>> -> memref<32x128xf32, #tpu.memory_space<vmem>>
      %dma_wait3A_459 = arith.constant 0 : i32
      %dma_wait3A_460 = arith.constant 0 : i32
      %dma_wait3A_461 = tpu.memref_slice %arg3[%dma_wait3A_459, %dma_wait3A_460] : memref<32x1000000xf32, #tpu.memory_space<hbm>> -> memref<32x128xf32, #tpu.memory_space<hbm>>
      tpu.wait_dma2 semaphore(%arg15 : memref<!tpu.dma_semaphore, #tpu.memory_space<semaphore_mem>>) src(%dma_wait3A_461 : memref<32x128xf32, #tpu.memory_space<hbm>>) dst(%dma_wait3A_458 : memref<32x128xf32, #tpu.memory_space<vmem>>)
      %and3A_462 = arith.constant 127 : i32
      %and3A_463 = arith.andi %squeeze3A_440, %and3A_462 : i32
      %broadcast_in_dim3A_464 = vector.broadcast %and3A_463 : i32 to vector<16xi32>
      %broadcast_in_dim3A_465 = vector.broadcast %add3A_446 : i32 to vector<16xi32>
      %gather3A_466 = arith.constant 7 : i32
      %gather3A_467 = arith.constant 0 : i32
      %gather3A_468 = arith.constant 0 : i32
      %gather3A_469 = tpu.memref_slice %arg6[%gather3A_466, %gather3A_467, %gather3A_468] : memref<8x32x128xf32, #tpu.memory_space<vmem>> -> memref<1x32x128xf32, #tpu.memory_space<vmem>>
      %gather3A_470 = tpu.memref_squeeze %gather3A_469 : memref<1x32x128xf32, #tpu.memory_space<vmem>> -> memref<32x128xf32, #tpu.memory_space<vmem>>
      %gather3A_471 = tpu.vector_load_idx %gather3A_470[%iota3A, %broadcast_in_dim3A_464] : memref<32x128xf32, #tpu.memory_space<vmem>>[vector<16xi32>, vector<16xi32>], vector<16xf32>,
      %gather3A_472 = arith.constant 7 : i32
      %gather3A_473 = arith.constant 0 : i32
      %gather3A_474 = arith.constant 0 : i32
      %gather3A_475 = tpu.memref_slice %arg6[%gather3A_472, %gather3A_473, %gather3A_474] : memref<8x32x128xf32, #tpu.memory_space<vmem>> -> memref<1x32x128xf32, #tpu.memory_space<vmem>>
      %gather3A_476 = tpu.memref_squeeze %gather3A_475 : memref<1x32x128xf32, #tpu.memory_space<vmem>> -> memref<32x128xf32, #tpu.memory_space<vmem>>
      %gather3A_477 = tpu.vector_load_idx %gather3A_476[%add3A_5, %broadcast_in_dim3A_464] : memref<32x128xf32, #tpu.memory_space<vmem>>[vector<16xi32>, vector<16xi32>], vector<16xf32>,
      tpu.vector_store_idx %arg7[%broadcast_in_dim3A_465, %iota3A], %gather3A_471 : memref<512x32xf32, #tpu.memory_space<vmem>>[vector<16xi32>, vector<16xi32>], vector<16xf32>,
      tpu.vector_store_idx %arg7[%broadcast_in_dim3A_465, %add3A_5], %gather3A_477 : memref<512x32xf32, #tpu.memory_space<vmem>>[vector<16xi32>, vector<16xi32>], vector<16xf32>,
      %slice3A_478 = vector.extract_strided_slice %get3A_14 {offsets = [8], sizes = [1], strides = [1]} : vector<16xi32> to vector<1xi32>
      %squeeze3A_479 = vector.extract %slice3A_478[0] : i32 from vector<1xi32>
      %shift_right_logical3A_480 = arith.constant 7 : i32
      %shift_right_logical3A_481 = arith.shrui %squeeze3A_479, %shift_right_logical3A_480 : i32
      %mul3A_482 = arith.constant 128 : i32
      %mul3A_483 = arith.muli %shift_right_logical3A_481, %mul3A_482 : i32
      %multiple_of3A_484 = tpu.assume_multiple %mul3A_483, 128 : i32
      %dma_start3A_485 = arith.constant 0 : i32
      %dma_start3A_486 = arith.constant 0 : i32
      %dma_start3A_487 = arith.constant 0 : i32
      %dma_start3A_488 = tpu.memref_slice %arg6[%dma_start3A_485, %dma_start3A_486, %dma_start3A_487] : memref<8x32x128xf32, #tpu.memory_space<vmem>> -> memref<1x32x128xf32, #tpu.memory_space<vmem>>
      %dma_start3A_489 = tpu.memref_squeeze %dma_start3A_488 : memref<1x32x128xf32, #tpu.memory_space<vmem>> -> memref<32x128xf32, #tpu.memory_space<vmem>>
      %dma_start3A_490 = arith.constant 0 : i32
      %dma_start3A_491 = tpu.memref_slice %arg3[%dma_start3A_490, %multiple_of3A_484] : memref<32x1000000xf32, #tpu.memory_space<hbm>> -> memref<32x128xf32, #tpu.memory_space<hbm>>
      %dma_start3A_492 = arith.constant 0 : i32
      %dma_start3A_493 = arith.constant 0 : i32
      %dma_start3A_494 = tpu.memref_slice %arg6[%dma_start3A_485, %dma_start3A_492, %dma_start3A_493] : memref<8x32x128xf32, #tpu.memory_space<vmem>> -> memref<1x32x128xf32, #tpu.memory_space<vmem>>
      %dma_start3A_495 = tpu.memref_squeeze %dma_start3A_494 : memref<1x32x128xf32, #tpu.memory_space<vmem>> -> memref<32x128xf32, #tpu.memory_space<vmem>>
      %dma_start3A_496 = arith.constant 0 : i32
      %dma_start3A_497 = tpu.memref_slice %arg3[%dma_start3A_496, %multiple_of3A_484] : memref<32x1000000xf32, #tpu.memory_space<hbm>> -> memref<32x128xf32, #tpu.memory_space<hbm>>
      tpu.enqueue_dma source(%dma_start3A_497 : memref<32x128xf32, #tpu.memory_space<hbm>>) target(%dma_start3A_495 : memref<32x128xf32, #tpu.memory_space<vmem>>) target_semaphore(%arg8 : memref<!tpu.dma_semaphore, #tpu.memory_space<semaphore_mem>>)
      %slice3A_498 = vector.extract_strided_slice %get3A_14 {offsets = [9], sizes = [1], strides = [1]} : vector<16xi32> to vector<1xi32>
      %squeeze3A_499 = vector.extract %slice3A_498[0] : i32 from vector<1xi32>
      %shift_right_logical3A_500 = arith.constant 7 : i32
      %shift_right_logical3A_501 = arith.shrui %squeeze3A_499, %shift_right_logical3A_500 : i32
      %mul3A_502 = arith.constant 128 : i32
      %mul3A_503 = arith.muli %shift_right_logical3A_501, %mul3A_502 : i32
      %multiple_of3A_504 = tpu.assume_multiple %mul3A_503, 128 : i32
      %dma_start3A_505 = arith.constant 1 : i32
      %dma_start3A_506 = arith.constant 0 : i32
      %dma_start3A_507 = arith.constant 0 : i32
      %dma_start3A_508 = tpu.memref_slice %arg6[%dma_start3A_505, %dma_start3A_506, %dma_start3A_507] : memref<8x32x128xf32, #tpu.memory_space<vmem>> -> memref<1x32x128xf32, #tpu.memory_space<vmem>>
      %dma_start3A_509 = tpu.memref_squeeze %dma_start3A_508 : memref<1x32x128xf32, #tpu.memory_space<vmem>> -> memref<32x128xf32, #tpu.memory_space<vmem>>
      %dma_start3A_510 = arith.constant 0 : i32
      %dma_start3A_511 = tpu.memref_slice %arg3[%dma_start3A_510, %multiple_of3A_504] : memref<32x1000000xf32, #tpu.memory_space<hbm>> -> memref<32x128xf32, #tpu.memory_space<hbm>>
      %dma_start3A_512 = arith.constant 0 : i32
      %dma_start3A_513 = arith.constant 0 : i32
      %dma_start3A_514 = tpu.memref_slice %arg6[%dma_start3A_505, %dma_start3A_512, %dma_start3A_513] : memref<8x32x128xf32, #tpu.memory_space<vmem>> -> memref<1x32x128xf32, #tpu.memory_space<vmem>>
      %dma_start3A_515 = tpu.memref_squeeze %dma_start3A_514 : memref<1x32x128xf32, #tpu.memory_space<vmem>> -> memref<32x128xf32, #tpu.memory_space<vmem>>
      %dma_start3A_516 = arith.constant 0 : i32
      %dma_start3A_517 = tpu.memref_slice %arg3[%dma_start3A_516, %multiple_of3A_504] : memref<32x1000000xf32, #tpu.memory_space<hbm>> -> memref<32x128xf32, #tpu.memory_space<hbm>>
      tpu.enqueue_dma source(%dma_start3A_517 : memref<32x128xf32, #tpu.memory_space<hbm>>) target(%dma_start3A_515 : memref<32x128xf32, #tpu.memory_space<vmem>>) target_semaphore(%arg9 : memref<!tpu.dma_semaphore, #tpu.memory_space<semaphore_mem>>)
      %slice3A_518 = vector.extract_strided_slice %get3A_14 {offsets = [10], sizes = [1], strides = [1]} : vector<16xi32> to vector<1xi32>
      %squeeze3A_519 = vector.extract %slice3A_518[0] : i32 from vector<1xi32>
      %shift_right_logical3A_520 = arith.constant 7 : i32
      %shift_right_logical3A_521 = arith.shrui %squeeze3A_519, %shift_right_logical3A_520 : i32
      %mul3A_522 = arith.constant 128 : i32
      %mul3A_523 = arith.muli %shift_right_logical3A_521, %mul3A_522 : i32
      %multiple_of3A_524 = tpu.assume_multiple %mul3A_523, 128 : i32
      %dma_start3A_525 = arith.constant 2 : i32
      %dma_start3A_526 = arith.constant 0 : i32
      %dma_start3A_527 = arith.constant 0 : i32
      %dma_start3A_528 = tpu.memref_slice %arg6[%dma_start3A_525, %dma_start3A_526, %dma_start3A_527] : memref<8x32x128xf32, #tpu.memory_space<vmem>> -> memref<1x32x128xf32, #tpu.memory_space<vmem>>
      %dma_start3A_529 = tpu.memref_squeeze %dma_start3A_528 : memref<1x32x128xf32, #tpu.memory_space<vmem>> -> memref<32x128xf32, #tpu.memory_space<vmem>>
      %dma_start3A_530 = arith.constant 0 : i32
      %dma_start3A_531 = tpu.memref_slice %arg3[%dma_start3A_530, %multiple_of3A_524] : memref<32x1000000xf32, #tpu.memory_space<hbm>> -> memref<32x128xf32, #tpu.memory_space<hbm>>
      %dma_start3A_532 = arith.constant 0 : i32
      %dma_start3A_533 = arith.constant 0 : i32
      %dma_start3A_534 = tpu.memref_slice %arg6[%dma_start3A_525, %dma_start3A_532, %dma_start3A_533] : memref<8x32x128xf32, #tpu.memory_space<vmem>> -> memref<1x32x128xf32, #tpu.memory_space<vmem>>
      %dma_start3A_535 = tpu.memref_squeeze %dma_start3A_534 : memref<1x32x128xf32, #tpu.memory_space<vmem>> -> memref<32x128xf32, #tpu.memory_space<vmem>>
      %dma_start3A_536 = arith.constant 0 : i32
      %dma_start3A_537 = tpu.memref_slice %arg3[%dma_start3A_536, %multiple_of3A_524] : memref<32x1000000xf32, #tpu.memory_space<hbm>> -> memref<32x128xf32, #tpu.memory_space<hbm>>
      tpu.enqueue_dma source(%dma_start3A_537 : memref<32x128xf32, #tpu.memory_space<hbm>>) target(%dma_start3A_535 : memref<32x128xf32, #tpu.memory_space<vmem>>) target_semaphore(%arg10 : memref<!tpu.dma_semaphore, #tpu.memory_space<semaphore_mem>>)
      %slice3A_538 = vector.extract_strided_slice %get3A_14 {offsets = [11], sizes = [1], strides = [1]} : vector<16xi32> to vector<1xi32>
      %squeeze3A_539 = vector.extract %slice3A_538[0] : i32 from vector<1xi32>
      %shift_right_logical3A_540 = arith.constant 7 : i32
      %shift_right_logical3A_541 = arith.shrui %squeeze3A_539, %shift_right_logical3A_540 : i32
      %mul3A_542 = arith.constant 128 : i32
      %mul3A_543 = arith.muli %shift_right_logical3A_541, %mul3A_542 : i32
      %multiple_of3A_544 = tpu.assume_multiple %mul3A_543, 128 : i32
      %dma_start3A_545 = arith.constant 3 : i32
      %dma_start3A_546 = arith.constant 0 : i32
      %dma_start3A_547 = arith.constant 0 : i32
      %dma_start3A_548 = tpu.memref_slice %arg6[%dma_start3A_545, %dma_start3A_546, %dma_start3A_547] : memref<8x32x128xf32, #tpu.memory_space<vmem>> -> memref<1x32x128xf32, #tpu.memory_space<vmem>>
      %dma_start3A_549 = tpu.memref_squeeze %dma_start3A_548 : memref<1x32x128xf32, #tpu.memory_space<vmem>> -> memref<32x128xf32, #tpu.memory_space<vmem>>
      %dma_start3A_550 = arith.constant 0 : i32
      %dma_start3A_551 = tpu.memref_slice %arg3[%dma_start3A_550, %multiple_of3A_544] : memref<32x1000000xf32, #tpu.memory_space<hbm>> -> memref<32x128xf32, #tpu.memory_space<hbm>>
      %dma_start3A_552 = arith.constant 0 : i32
      %dma_start3A_553 = arith.constant 0 : i32
      %dma_start3A_554 = tpu.memref_slice %arg6[%dma_start3A_545, %dma_start3A_552, %dma_start3A_553] : memref<8x32x128xf32, #tpu.memory_space<vmem>> -> memref<1x32x128xf32, #tpu.memory_space<vmem>>
      %dma_start3A_555 = tpu.memref_squeeze %dma_start3A_554 : memref<1x32x128xf32, #tpu.memory_space<vmem>> -> memref<32x128xf32, #tpu.memory_space<vmem>>
      %dma_start3A_556 = arith.constant 0 : i32
      %dma_start3A_557 = tpu.memref_slice %arg3[%dma_start3A_556, %multiple_of3A_544] : memref<32x1000000xf32, #tpu.memory_space<hbm>> -> memref<32x128xf32, #tpu.memory_space<hbm>>
      tpu.enqueue_dma source(%dma_start3A_557 : memref<32x128xf32, #tpu.memory_space<hbm>>) target(%dma_start3A_555 : memref<32x128xf32, #tpu.memory_space<vmem>>) target_semaphore(%arg11 : memref<!tpu.dma_semaphore, #tpu.memory_space<semaphore_mem>>)
      %slice3A_558 = vector.extract_strided_slice %get3A_14 {offsets = [12], sizes = [1], strides = [1]} : vector<16xi32> to vector<1xi32>
      %squeeze3A_559 = vector.extract %slice3A_558[0] : i32 from vector<1xi32>
      %shift_right_logical3A_560 = arith.constant 7 : i32
      %shift_right_logical3A_561 = arith.shrui %squeeze3A_559, %shift_right_logical3A_560 : i32
      %mul3A_562 = arith.constant 128 : i32
      %mul3A_563 = arith.muli %shift_right_logical3A_561, %mul3A_562 : i32
      %multiple_of3A_564 = tpu.assume_multiple %mul3A_563, 128 : i32
      %dma_start3A_565 = arith.constant 4 : i32
      %dma_start3A_566 = arith.constant 0 : i32
      %dma_start3A_567 = arith.constant 0 : i32
      %dma_start3A_568 = tpu.memref_slice %arg6[%dma_start3A_565, %dma_start3A_566, %dma_start3A_567] : memref<8x32x128xf32, #tpu.memory_space<vmem>> -> memref<1x32x128xf32, #tpu.memory_space<vmem>>
      %dma_start3A_569 = tpu.memref_squeeze %dma_start3A_568 : memref<1x32x128xf32, #tpu.memory_space<vmem>> -> memref<32x128xf32, #tpu.memory_space<vmem>>
      %dma_start3A_570 = arith.constant 0 : i32
      %dma_start3A_571 = tpu.memref_slice %arg3[%dma_start3A_570, %multiple_of3A_564] : memref<32x1000000xf32, #tpu.memory_space<hbm>> -> memref<32x128xf32, #tpu.memory_space<hbm>>
      %dma_start3A_572 = arith.constant 0 : i32
      %dma_start3A_573 = arith.constant 0 : i32
      %dma_start3A_574 = tpu.memref_slice %arg6[%dma_start3A_565, %dma_start3A_572, %dma_start3A_573] : memref<8x32x128xf32, #tpu.memory_space<vmem>> -> memref<1x32x128xf32, #tpu.memory_space<vmem>>
      %dma_start3A_575 = tpu.memref_squeeze %dma_start3A_574 : memref<1x32x128xf32, #tpu.memory_space<vmem>> -> memref<32x128xf32, #tpu.memory_space<vmem>>
      %dma_start3A_576 = arith.constant 0 : i32
      %dma_start3A_577 = tpu.memref_slice %arg3[%dma_start3A_576, %multiple_of3A_564] : memref<32x1000000xf32, #tpu.memory_space<hbm>> -> memref<32x128xf32, #tpu.memory_space<hbm>>
      tpu.enqueue_dma source(%dma_start3A_577 : memref<32x128xf32, #tpu.memory_space<hbm>>) target(%dma_start3A_575 : memref<32x128xf32, #tpu.memory_space<vmem>>) target_semaphore(%arg12 : memref<!tpu.dma_semaphore, #tpu.memory_space<semaphore_mem>>)
      %slice3A_578 = vector.extract_strided_slice %get3A_14 {offsets = [13], sizes = [1], strides = [1]} : vector<16xi32> to vector<1xi32>
      %squeeze3A_579 = vector.extract %slice3A_578[0] : i32 from vector<1xi32>
      %shift_right_logical3A_580 = arith.constant 7 : i32
      %shift_right_logical3A_581 = arith.shrui %squeeze3A_579, %shift_right_logical3A_580 : i32
      %mul3A_582 = arith.constant 128 : i32
      %mul3A_583 = arith.muli %shift_right_logical3A_581, %mul3A_582 : i32
      %multiple_of3A_584 = tpu.assume_multiple %mul3A_583, 128 : i32
      %dma_start3A_585 = arith.constant 5 : i32
      %dma_start3A_586 = arith.constant 0 : i32
      %dma_start3A_587 = arith.constant 0 : i32
      %dma_start3A_588 = tpu.memref_slice %arg6[%dma_start3A_585, %dma_start3A_586, %dma_start3A_587] : memref<8x32x128xf32, #tpu.memory_space<vmem>> -> memref<1x32x128xf32, #tpu.memory_space<vmem>>
      %dma_start3A_589 = tpu.memref_squeeze %dma_start3A_588 : memref<1x32x128xf32, #tpu.memory_space<vmem>> -> memref<32x128xf32, #tpu.memory_space<vmem>>
      %dma_start3A_590 = arith.constant 0 : i32
      %dma_start3A_591 = tpu.memref_slice %arg3[%dma_start3A_590, %multiple_of3A_584] : memref<32x1000000xf32, #tpu.memory_space<hbm>> -> memref<32x128xf32, #tpu.memory_space<hbm>>
      %dma_start3A_592 = arith.constant 0 : i32
      %dma_start3A_593 = arith.constant 0 : i32
      %dma_start3A_594 = tpu.memref_slice %arg6[%dma_start3A_585, %dma_start3A_592, %dma_start3A_593] : memref<8x32x128xf32, #tpu.memory_space<vmem>> -> memref<1x32x128xf32, #tpu.memory_space<vmem>>
      %dma_start3A_595 = tpu.memref_squeeze %dma_start3A_594 : memref<1x32x128xf32, #tpu.memory_space<vmem>> -> memref<32x128xf32, #tpu.memory_space<vmem>>
      %dma_start3A_596 = arith.constant 0 : i32
      %dma_start3A_597 = tpu.memref_slice %arg3[%dma_start3A_596, %multiple_of3A_584] : memref<32x1000000xf32, #tpu.memory_space<hbm>> -> memref<32x128xf32, #tpu.memory_space<hbm>>
      tpu.enqueue_dma source(%dma_start3A_597 : memref<32x128xf32, #tpu.memory_space<hbm>>) target(%dma_start3A_595 : memref<32x128xf32, #tpu.memory_space<vmem>>) target_semaphore(%arg13 : memref<!tpu.dma_semaphore, #tpu.memory_space<semaphore_mem>>)
      %slice3A_598 = vector.extract_strided_slice %get3A_14 {offsets = [14], sizes = [1], strides = [1]} : vector<16xi32> to vector<1xi32>
      %squeeze3A_599 = vector.extract %slice3A_598[0] : i32 from vector<1xi32>
      %shift_right_logical3A_600 = arith.constant 7 : i32
      %shift_right_logical3A_601 = arith.shrui %squeeze3A_599, %shift_right_logical3A_600 : i32
      %mul3A_602 = arith.constant 128 : i32
      %mul3A_603 = arith.muli %shift_right_logical3A_601, %mul3A_602 : i32
      %multiple_of3A_604 = tpu.assume_multiple %mul3A_603, 128 : i32
      %dma_start3A_605 = arith.constant 6 : i32
      %dma_start3A_606 = arith.constant 0 : i32
      %dma_start3A_607 = arith.constant 0 : i32
      %dma_start3A_608 = tpu.memref_slice %arg6[%dma_start3A_605, %dma_start3A_606, %dma_start3A_607] : memref<8x32x128xf32, #tpu.memory_space<vmem>> -> memref<1x32x128xf32, #tpu.memory_space<vmem>>
      %dma_start3A_609 = tpu.memref_squeeze %dma_start3A_608 : memref<1x32x128xf32, #tpu.memory_space<vmem>> -> memref<32x128xf32, #tpu.memory_space<vmem>>
      %dma_start3A_610 = arith.constant 0 : i32
      %dma_start3A_611 = tpu.memref_slice %arg3[%dma_start3A_610, %multiple_of3A_604] : memref<32x1000000xf32, #tpu.memory_space<hbm>> -> memref<32x128xf32, #tpu.memory_space<hbm>>
      %dma_start3A_612 = arith.constant 0 : i32
      %dma_start3A_613 = arith.constant 0 : i32
      %dma_start3A_614 = tpu.memref_slice %arg6[%dma_start3A_605, %dma_start3A_612, %dma_start3A_613] : memref<8x32x128xf32, #tpu.memory_space<vmem>> -> memref<1x32x128xf32, #tpu.memory_space<vmem>>
      %dma_start3A_615 = tpu.memref_squeeze %dma_start3A_614 : memref<1x32x128xf32, #tpu.memory_space<vmem>> -> memref<32x128xf32, #tpu.memory_space<vmem>>
      %dma_start3A_616 = arith.constant 0 : i32
      %dma_start3A_617 = tpu.memref_slice %arg3[%dma_start3A_616, %multiple_of3A_604] : memref<32x1000000xf32, #tpu.memory_space<hbm>> -> memref<32x128xf32, #tpu.memory_space<hbm>>
      tpu.enqueue_dma source(%dma_start3A_617 : memref<32x128xf32, #tpu.memory_space<hbm>>) target(%dma_start3A_615 : memref<32x128xf32, #tpu.memory_space<vmem>>) target_semaphore(%arg14 : memref<!tpu.dma_semaphore, #tpu.memory_space<semaphore_mem>>)
      %slice3A_618 = vector.extract_strided_slice %get3A_14 {offsets = [15], sizes = [1], strides = [1]} : vector<16xi32> to vector<1xi32>
      %squeeze3A_619 = vector.extract %slice3A_618[0] : i32 from vector<1xi32>
      %shift_right_logical3A_620 = arith.constant 7 : i32
      %shift_right_logical3A_621 = arith.shrui %squeeze3A_619, %shift_right_logical3A_620 : i32
      %mul3A_622 = arith.constant 128 : i32
      %mul3A_623 = arith.muli %shift_right_logical3A_621, %mul3A_622 : i32
      %multiple_of3A_624 = tpu.assume_multiple %mul3A_623, 128 : i32
      %dma_start3A_625 = arith.constant 7 : i32
      %dma_start3A_626 = arith.constant 0 : i32
      %dma_start3A_627 = arith.constant 0 : i32
      %dma_start3A_628 = tpu.memref_slice %arg6[%dma_start3A_625, %dma_start3A_626, %dma_start3A_627] : memref<8x32x128xf32, #tpu.memory_space<vmem>> -> memref<1x32x128xf32, #tpu.memory_space<vmem>>
      %dma_start3A_629 = tpu.memref_squeeze %dma_start3A_628 : memref<1x32x128xf32, #tpu.memory_space<vmem>> -> memref<32x128xf32, #tpu.memory_space<vmem>>
      %dma_start3A_630 = arith.constant 0 : i32
      %dma_start3A_631 = tpu.memref_slice %arg3[%dma_start3A_630, %multiple_of3A_624] : memref<32x1000000xf32, #tpu.memory_space<hbm>> -> memref<32x128xf32, #tpu.memory_space<hbm>>
      %dma_start3A_632 = arith.constant 0 : i32
      %dma_start3A_633 = arith.constant 0 : i32
      %dma_start3A_634 = tpu.memref_slice %arg6[%dma_start3A_625, %dma_start3A_632, %dma_start3A_633] : memref<8x32x128xf32, #tpu.memory_space<vmem>> -> memref<1x32x128xf32, #tpu.memory_space<vmem>>
      %dma_start3A_635 = tpu.memref_squeeze %dma_start3A_634 : memref<1x32x128xf32, #tpu.memory_space<vmem>> -> memref<32x128xf32, #tpu.memory_space<vmem>>
      %dma_start3A_636 = arith.constant 0 : i32
      %dma_start3A_637 = tpu.memref_slice %arg3[%dma_start3A_636, %multiple_of3A_624] : memref<32x1000000xf32, #tpu.memory_space<hbm>> -> memref<32x128xf32, #tpu.memory_space<hbm>>
      tpu.enqueue_dma source(%dma_start3A_637 : memref<32x128xf32, #tpu.memory_space<hbm>>) target(%dma_start3A_635 : memref<32x128xf32, #tpu.memory_space<vmem>>) target_semaphore(%arg15 : memref<!tpu.dma_semaphore, #tpu.memory_space<semaphore_mem>>)
      %slice3A_638 = vector.extract_strided_slice %get3A_14 {offsets = [8], sizes = [1], strides = [1]} : vector<16xi32> to vector<1xi32>
      %squeeze3A_639 = vector.extract %slice3A_638[0] : i32 from vector<1xi32>
      %mul3A_640 = arith.constant 16 : i32
      %mul3A_641 = arith.muli %scan3A_11, %mul3A_640 : i32
      %add3A_642 = arith.constant 8 : i32
      %add3A_643 = arith.addi %mul3A_641, %add3A_642 : i32
      %add3A_644 = arith.constant 0 : i32
      %add3A_645 = arith.addi %add3A_643, %add3A_644 : i32
      %dma_wait3A_646 = arith.constant 0 : i32
      %dma_wait3A_647 = arith.constant 0 : i32
      %dma_wait3A_648 = arith.constant 0 : i32
      %dma_wait3A_649 = tpu.memref_slice %arg6[%dma_wait3A_646, %dma_wait3A_647, %dma_wait3A_648] : memref<8x32x128xf32, #tpu.memory_space<vmem>> -> memref<1x32x128xf32, #tpu.memory_space<vmem>>
      %dma_wait3A_650 = tpu.memref_squeeze %dma_wait3A_649 : memref<1x32x128xf32, #tpu.memory_space<vmem>> -> memref<32x128xf32, #tpu.memory_space<vmem>>
      %dma_wait3A_651 = arith.constant 0 : i32
      %dma_wait3A_652 = arith.constant 0 : i32
      %dma_wait3A_653 = tpu.memref_slice %arg3[%dma_wait3A_651, %dma_wait3A_652] : memref<32x1000000xf32, #tpu.memory_space<hbm>> -> memref<32x128xf32, #tpu.memory_space<hbm>>
      %dma_wait3A_654 = arith.constant 0 : i32
      %dma_wait3A_655 = arith.constant 0 : i32
      %dma_wait3A_656 = tpu.memref_slice %arg6[%dma_wait3A_646, %dma_wait3A_654, %dma_wait3A_655] : memref<8x32x128xf32, #tpu.memory_space<vmem>> -> memref<1x32x128xf32, #tpu.memory_space<vmem>>
      %dma_wait3A_657 = tpu.memref_squeeze %dma_wait3A_656 : memref<1x32x128xf32, #tpu.memory_space<vmem>> -> memref<32x128xf32, #tpu.memory_space<vmem>>
      %dma_wait3A_658 = arith.constant 0 : i32
      %dma_wait3A_659 = arith.constant 0 : i32
      %dma_wait3A_660 = tpu.memref_slice %arg3[%dma_wait3A_658, %dma_wait3A_659] : memref<32x1000000xf32, #tpu.memory_space<hbm>> -> memref<32x128xf32, #tpu.memory_space<hbm>>
      tpu.wait_dma2 semaphore(%arg8 : memref<!tpu.dma_semaphore, #tpu.memory_space<semaphore_mem>>) src(%dma_wait3A_660 : memref<32x128xf32, #tpu.memory_space<hbm>>) dst(%dma_wait3A_657 : memref<32x128xf32, #tpu.memory_space<vmem>>)
      %and3A_661 = arith.constant 127 : i32
      %and3A_662 = arith.andi %squeeze3A_639, %and3A_661 : i32
      %broadcast_in_dim3A_663 = vector.broadcast %and3A_662 : i32 to vector<16xi32>
      %broadcast_in_dim3A_664 = vector.broadcast %add3A_645 : i32 to vector<16xi32>
      %gather3A_665 = arith.constant 0 : i32
      %gather3A_666 = arith.constant 0 : i32
      %gather3A_667 = arith.constant 0 : i32
      %gather3A_668 = tpu.memref_slice %arg6[%gather3A_665, %gather3A_666, %gather3A_667] : memref<8x32x128xf32, #tpu.memory_space<vmem>> -> memref<1x32x128xf32, #tpu.memory_space<vmem>>
      %gather3A_669 = tpu.memref_squeeze %gather3A_668 : memref<1x32x128xf32, #tpu.memory_space<vmem>> -> memref<32x128xf32, #tpu.memory_space<vmem>>
      %gather3A_670 = tpu.vector_load_idx %gather3A_669[%iota3A, %broadcast_in_dim3A_663] : memref<32x128xf32, #tpu.memory_space<vmem>>[vector<16xi32>, vector<16xi32>], vector<16xf32>,
      %gather3A_671 = arith.constant 0 : i32
      %gather3A_672 = arith.constant 0 : i32
      %gather3A_673 = arith.constant 0 : i32
      %gather3A_674 = tpu.memref_slice %arg6[%gather3A_671, %gather3A_672, %gather3A_673] : memref<8x32x128xf32, #tpu.memory_space<vmem>> -> memref<1x32x128xf32, #tpu.memory_space<vmem>>
      %gather3A_675 = tpu.memref_squeeze %gather3A_674 : memref<1x32x128xf32, #tpu.memory_space<vmem>> -> memref<32x128xf32, #tpu.memory_space<vmem>>
      %gather3A_676 = tpu.vector_load_idx %gather3A_675[%add3A_5, %broadcast_in_dim3A_663] : memref<32x128xf32, #tpu.memory_space<vmem>>[vector<16xi32>, vector<16xi32>], vector<16xf32>,
      tpu.vector_store_idx %arg7[%broadcast_in_dim3A_664, %iota3A], %gather3A_670 : memref<512x32xf32, #tpu.memory_space<vmem>>[vector<16xi32>, vector<16xi32>], vector<16xf32>,
      tpu.vector_store_idx %arg7[%broadcast_in_dim3A_664, %add3A_5], %gather3A_676 : memref<512x32xf32, #tpu.memory_space<vmem>>[vector<16xi32>, vector<16xi32>], vector<16xf32>,
      %slice3A_677 = vector.extract_strided_slice %get3A_14 {offsets = [9], sizes = [1], strides = [1]} : vector<16xi32> to vector<1xi32>
      %squeeze3A_678 = vector.extract %slice3A_677[0] : i32 from vector<1xi32>
      %mul3A_679 = arith.constant 16 : i32
      %mul3A_680 = arith.muli %scan3A_11, %mul3A_679 : i32
      %add3A_681 = arith.constant 8 : i32
      %add3A_682 = arith.addi %mul3A_680, %add3A_681 : i32
      %add3A_683 = arith.constant 1 : i32
      %add3A_684 = arith.addi %add3A_682, %add3A_683 : i32
      %dma_wait3A_685 = arith.constant 1 : i32
      %dma_wait3A_686 = arith.constant 0 : i32
      %dma_wait3A_687 = arith.constant 0 : i32
      %dma_wait3A_688 = tpu.memref_slice %arg6[%dma_wait3A_685, %dma_wait3A_686, %dma_wait3A_687] : memref<8x32x128xf32, #tpu.memory_space<vmem>> -> memref<1x32x128xf32, #tpu.memory_space<vmem>>
      %dma_wait3A_689 = tpu.memref_squeeze %dma_wait3A_688 : memref<1x32x128xf32, #tpu.memory_space<vmem>> -> memref<32x128xf32, #tpu.memory_space<vmem>>
      %dma_wait3A_690 = arith.constant 0 : i32
      %dma_wait3A_691 = arith.constant 0 : i32
      %dma_wait3A_692 = tpu.memref_slice %arg3[%dma_wait3A_690, %dma_wait3A_691] : memref<32x1000000xf32, #tpu.memory_space<hbm>> -> memref<32x128xf32, #tpu.memory_space<hbm>>
      %dma_wait3A_693 = arith.constant 0 : i32
      %dma_wait3A_694 = arith.constant 0 : i32
      %dma_wait3A_695 = tpu.memref_slice %arg6[%dma_wait3A_685, %dma_wait3A_693, %dma_wait3A_694] : memref<8x32x128xf32, #tpu.memory_space<vmem>> -> memref<1x32x128xf32, #tpu.memory_space<vmem>>
      %dma_wait3A_696 = tpu.memref_squeeze %dma_wait3A_695 : memref<1x32x128xf32, #tpu.memory_space<vmem>> -> memref<32x128xf32, #tpu.memory_space<vmem>>
      %dma_wait3A_697 = arith.constant 0 : i32
      %dma_wait3A_698 = arith.constant 0 : i32
      %dma_wait3A_699 = tpu.memref_slice %arg3[%dma_wait3A_697, %dma_wait3A_698] : memref<32x1000000xf32, #tpu.memory_space<hbm>> -> memref<32x128xf32, #tpu.memory_space<hbm>>
      tpu.wait_dma2 semaphore(%arg9 : memref<!tpu.dma_semaphore, #tpu.memory_space<semaphore_mem>>) src(%dma_wait3A_699 : memref<32x128xf32, #tpu.memory_space<hbm>>) dst(%dma_wait3A_696 : memref<32x128xf32, #tpu.memory_space<vmem>>)
      %and3A_700 = arith.constant 127 : i32
      %and3A_701 = arith.andi %squeeze3A_678, %and3A_700 : i32
      %broadcast_in_dim3A_702 = vector.broadcast %and3A_701 : i32 to vector<16xi32>
      %broadcast_in_dim3A_703 = vector.broadcast %add3A_684 : i32 to vector<16xi32>
      %gather3A_704 = arith.constant 1 : i32
      %gather3A_705 = arith.constant 0 : i32
      %gather3A_706 = arith.constant 0 : i32
      %gather3A_707 = tpu.memref_slice %arg6[%gather3A_704, %gather3A_705, %gather3A_706] : memref<8x32x128xf32, #tpu.memory_space<vmem>> -> memref<1x32x128xf32, #tpu.memory_space<vmem>>
      %gather3A_708 = tpu.memref_squeeze %gather3A_707 : memref<1x32x128xf32, #tpu.memory_space<vmem>> -> memref<32x128xf32, #tpu.memory_space<vmem>>
      %gather3A_709 = tpu.vector_load_idx %gather3A_708[%iota3A, %broadcast_in_dim3A_702] : memref<32x128xf32, #tpu.memory_space<vmem>>[vector<16xi32>, vector<16xi32>], vector<16xf32>,
      %gather3A_710 = arith.constant 1 : i32
      %gather3A_711 = arith.constant 0 : i32
      %gather3A_712 = arith.constant 0 : i32
      %gather3A_713 = tpu.memref_slice %arg6[%gather3A_710, %gather3A_711, %gather3A_712] : memref<8x32x128xf32, #tpu.memory_space<vmem>> -> memref<1x32x128xf32, #tpu.memory_space<vmem>>
      %gather3A_714 = tpu.memref_squeeze %gather3A_713 : memref<1x32x128xf32, #tpu.memory_space<vmem>> -> memref<32x128xf32, #tpu.memory_space<vmem>>
      %gather3A_715 = tpu.vector_load_idx %gather3A_714[%add3A_5, %broadcast_in_dim3A_702] : memref<32x128xf32, #tpu.memory_space<vmem>>[vector<16xi32>, vector<16xi32>], vector<16xf32>,
      tpu.vector_store_idx %arg7[%broadcast_in_dim3A_703, %iota3A], %gather3A_709 : memref<512x32xf32, #tpu.memory_space<vmem>>[vector<16xi32>, vector<16xi32>], vector<16xf32>,
      tpu.vector_store_idx %arg7[%broadcast_in_dim3A_703, %add3A_5], %gather3A_715 : memref<512x32xf32, #tpu.memory_space<vmem>>[vector<16xi32>, vector<16xi32>], vector<16xf32>,
      %slice3A_716 = vector.extract_strided_slice %get3A_14 {offsets = [10], sizes = [1], strides = [1]} : vector<16xi32> to vector<1xi32>
      %squeeze3A_717 = vector.extract %slice3A_716[0] : i32 from vector<1xi32>
      %mul3A_718 = arith.constant 16 : i32
      %mul3A_719 = arith.muli %scan3A_11, %mul3A_718 : i32
      %add3A_720 = arith.constant 8 : i32
      %add3A_721 = arith.addi %mul3A_719, %add3A_720 : i32
      %add3A_722 = arith.constant 2 : i32
      %add3A_723 = arith.addi %add3A_721, %add3A_722 : i32
      %dma_wait3A_724 = arith.constant 2 : i32
      %dma_wait3A_725 = arith.constant 0 : i32
      %dma_wait3A_726 = arith.constant 0 : i32
      %dma_wait3A_727 = tpu.memref_slice %arg6[%dma_wait3A_724, %dma_wait3A_725, %dma_wait3A_726] : memref<8x32x128xf32, #tpu.memory_space<vmem>> -> memref<1x32x128xf32, #tpu.memory_space<vmem>>
      %dma_wait3A_728 = tpu.memref_squeeze %dma_wait3A_727 : memref<1x32x128xf32, #tpu.memory_space<vmem>> -> memref<32x128xf32, #tpu.memory_space<vmem>>
      %dma_wait3A_729 = arith.constant 0 : i32
      %dma_wait3A_730 = arith.constant 0 : i32
      %dma_wait3A_731 = tpu.memref_slice %arg3[%dma_wait3A_729, %dma_wait3A_730] : memref<32x1000000xf32, #tpu.memory_space<hbm>> -> memref<32x128xf32, #tpu.memory_space<hbm>>
      %dma_wait3A_732 = arith.constant 0 : i32
      %dma_wait3A_733 = arith.constant 0 : i32
      %dma_wait3A_734 = tpu.memref_slice %arg6[%dma_wait3A_724, %dma_wait3A_732, %dma_wait3A_733] : memref<8x32x128xf32, #tpu.memory_space<vmem>> -> memref<1x32x128xf32, #tpu.memory_space<vmem>>
      %dma_wait3A_735 = tpu.memref_squeeze %dma_wait3A_734 : memref<1x32x128xf32, #tpu.memory_space<vmem>> -> memref<32x128xf32, #tpu.memory_space<vmem>>
      %dma_wait3A_736 = arith.constant 0 : i32
      %dma_wait3A_737 = arith.constant 0 : i32
      %dma_wait3A_738 = tpu.memref_slice %arg3[%dma_wait3A_736, %dma_wait3A_737] : memref<32x1000000xf32, #tpu.memory_space<hbm>> -> memref<32x128xf32, #tpu.memory_space<hbm>>
      tpu.wait_dma2 semaphore(%arg10 : memref<!tpu.dma_semaphore, #tpu.memory_space<semaphore_mem>>) src(%dma_wait3A_738 : memref<32x128xf32, #tpu.memory_space<hbm>>) dst(%dma_wait3A_735 : memref<32x128xf32, #tpu.memory_space<vmem>>)
      %and3A_739 = arith.constant 127 : i32
      %and3A_740 = arith.andi %squeeze3A_717, %and3A_739 : i32
      %broadcast_in_dim3A_741 = vector.broadcast %and3A_740 : i32 to vector<16xi32>
      %broadcast_in_dim3A_742 = vector.broadcast %add3A_723 : i32 to vector<16xi32>
      %gather3A_743 = arith.constant 2 : i32
      %gather3A_744 = arith.constant 0 : i32
      %gather3A_745 = arith.constant 0 : i32
      %gather3A_746 = tpu.memref_slice %arg6[%gather3A_743, %gather3A_744, %gather3A_745] : memref<8x32x128xf32, #tpu.memory_space<vmem>> -> memref<1x32x128xf32, #tpu.memory_space<vmem>>
      %gather3A_747 = tpu.memref_squeeze %gather3A_746 : memref<1x32x128xf32, #tpu.memory_space<vmem>> -> memref<32x128xf32, #tpu.memory_space<vmem>>
      %gather3A_748 = tpu.vector_load_idx %gather3A_747[%iota3A, %broadcast_in_dim3A_741] : memref<32x128xf32, #tpu.memory_space<vmem>>[vector<16xi32>, vector<16xi32>], vector<16xf32>,
      %gather3A_749 = arith.constant 2 : i32
      %gather3A_750 = arith.constant 0 : i32
      %gather3A_751 = arith.constant 0 : i32
      %gather3A_752 = tpu.memref_slice %arg6[%gather3A_749, %gather3A_750, %gather3A_751] : memref<8x32x128xf32, #tpu.memory_space<vmem>> -> memref<1x32x128xf32, #tpu.memory_space<vmem>>
      %gather3A_753 = tpu.memref_squeeze %gather3A_752 : memref<1x32x128xf32, #tpu.memory_space<vmem>> -> memref<32x128xf32, #tpu.memory_space<vmem>>
      %gather3A_754 = tpu.vector_load_idx %gather3A_753[%add3A_5, %broadcast_in_dim3A_741] : memref<32x128xf32, #tpu.memory_space<vmem>>[vector<16xi32>, vector<16xi32>], vector<16xf32>,
      tpu.vector_store_idx %arg7[%broadcast_in_dim3A_742, %iota3A], %gather3A_748 : memref<512x32xf32, #tpu.memory_space<vmem>>[vector<16xi32>, vector<16xi32>], vector<16xf32>,
      tpu.vector_store_idx %arg7[%broadcast_in_dim3A_742, %add3A_5], %gather3A_754 : memref<512x32xf32, #tpu.memory_space<vmem>>[vector<16xi32>, vector<16xi32>], vector<16xf32>,
      %slice3A_755 = vector.extract_strided_slice %get3A_14 {offsets = [11], sizes = [1], strides = [1]} : vector<16xi32> to vector<1xi32>
      %squeeze3A_756 = vector.extract %slice3A_755[0] : i32 from vector<1xi32>
      %mul3A_757 = arith.constant 16 : i32
      %mul3A_758 = arith.muli %scan3A_11, %mul3A_757 : i32
      %add3A_759 = arith.constant 8 : i32
      %add3A_760 = arith.addi %mul3A_758, %add3A_759 : i32
      %add3A_761 = arith.constant 3 : i32
      %add3A_762 = arith.addi %add3A_760, %add3A_761 : i32
      %dma_wait3A_763 = arith.constant 3 : i32
      %dma_wait3A_764 = arith.constant 0 : i32
      %dma_wait3A_765 = arith.constant 0 : i32
      %dma_wait3A_766 = tpu.memref_slice %arg6[%dma_wait3A_763, %dma_wait3A_764, %dma_wait3A_765] : memref<8x32x128xf32, #tpu.memory_space<vmem>> -> memref<1x32x128xf32, #tpu.memory_space<vmem>>
      %dma_wait3A_767 = tpu.memref_squeeze %dma_wait3A_766 : memref<1x32x128xf32, #tpu.memory_space<vmem>> -> memref<32x128xf32, #tpu.memory_space<vmem>>
      %dma_wait3A_768 = arith.constant 0 : i32
      %dma_wait3A_769 = arith.constant 0 : i32
      %dma_wait3A_770 = tpu.memref_slice %arg3[%dma_wait3A_768, %dma_wait3A_769] : memref<32x1000000xf32, #tpu.memory_space<hbm>> -> memref<32x128xf32, #tpu.memory_space<hbm>>
      %dma_wait3A_771 = arith.constant 0 : i32
      %dma_wait3A_772 = arith.constant 0 : i32
      %dma_wait3A_773 = tpu.memref_slice %arg6[%dma_wait3A_763, %dma_wait3A_771, %dma_wait3A_772] : memref<8x32x128xf32, #tpu.memory_space<vmem>> -> memref<1x32x128xf32, #tpu.memory_space<vmem>>
      %dma_wait3A_774 = tpu.memref_squeeze %dma_wait3A_773 : memref<1x32x128xf32, #tpu.memory_space<vmem>> -> memref<32x128xf32, #tpu.memory_space<vmem>>
      %dma_wait3A_775 = arith.constant 0 : i32
      %dma_wait3A_776 = arith.constant 0 : i32
      %dma_wait3A_777 = tpu.memref_slice %arg3[%dma_wait3A_775, %dma_wait3A_776] : memref<32x1000000xf32, #tpu.memory_space<hbm>> -> memref<32x128xf32, #tpu.memory_space<hbm>>
      tpu.wait_dma2 semaphore(%arg11 : memref<!tpu.dma_semaphore, #tpu.memory_space<semaphore_mem>>) src(%dma_wait3A_777 : memref<32x128xf32, #tpu.memory_space<hbm>>) dst(%dma_wait3A_774 : memref<32x128xf32, #tpu.memory_space<vmem>>)
      %and3A_778 = arith.constant 127 : i32
      %and3A_779 = arith.andi %squeeze3A_756, %and3A_778 : i32
      %broadcast_in_dim3A_780 = vector.broadcast %and3A_779 : i32 to vector<16xi32>
      %broadcast_in_dim3A_781 = vector.broadcast %add3A_762 : i32 to vector<16xi32>
      %gather3A_782 = arith.constant 3 : i32
      %gather3A_783 = arith.constant 0 : i32
      %gather3A_784 = arith.constant 0 : i32
      %gather3A_785 = tpu.memref_slice %arg6[%gather3A_782, %gather3A_783, %gather3A_784] : memref<8x32x128xf32, #tpu.memory_space<vmem>> -> memref<1x32x128xf32, #tpu.memory_space<vmem>>
      %gather3A_786 = tpu.memref_squeeze %gather3A_785 : memref<1x32x128xf32, #tpu.memory_space<vmem>> -> memref<32x128xf32, #tpu.memory_space<vmem>>
      %gather3A_787 = tpu.vector_load_idx %gather3A_786[%iota3A, %broadcast_in_dim3A_780] : memref<32x128xf32, #tpu.memory_space<vmem>>[vector<16xi32>, vector<16xi32>], vector<16xf32>,
      %gather3A_788 = arith.constant 3 : i32
      %gather3A_789 = arith.constant 0 : i32
      %gather3A_790 = arith.constant 0 : i32
      %gather3A_791 = tpu.memref_slice %arg6[%gather3A_788, %gather3A_789, %gather3A_790] : memref<8x32x128xf32, #tpu.memory_space<vmem>> -> memref<1x32x128xf32, #tpu.memory_space<vmem>>
      %gather3A_792 = tpu.memref_squeeze %gather3A_791 : memref<1x32x128xf32, #tpu.memory_space<vmem>> -> memref<32x128xf32, #tpu.memory_space<vmem>>
      %gather3A_793 = tpu.vector_load_idx %gather3A_792[%add3A_5, %broadcast_in_dim3A_780] : memref<32x128xf32, #tpu.memory_space<vmem>>[vector<16xi32>, vector<16xi32>], vector<16xf32>,
      tpu.vector_store_idx %arg7[%broadcast_in_dim3A_781, %iota3A], %gather3A_787 : memref<512x32xf32, #tpu.memory_space<vmem>>[vector<16xi32>, vector<16xi32>], vector<16xf32>,
      tpu.vector_store_idx %arg7[%broadcast_in_dim3A_781, %add3A_5], %gather3A_793 : memref<512x32xf32, #tpu.memory_space<vmem>>[vector<16xi32>, vector<16xi32>], vector<16xf32>,
      %slice3A_794 = vector.extract_strided_slice %get3A_14 {offsets = [12], sizes = [1], strides = [1]} : vector<16xi32> to vector<1xi32>
      %squeeze3A_795 = vector.extract %slice3A_794[0] : i32 from vector<1xi32>
      %mul3A_796 = arith.constant 16 : i32
      %mul3A_797 = arith.muli %scan3A_11, %mul3A_796 : i32
      %add3A_798 = arith.constant 8 : i32
      %add3A_799 = arith.addi %mul3A_797, %add3A_798 : i32
      %add3A_800 = arith.constant 4 : i32
      %add3A_801 = arith.addi %add3A_799, %add3A_800 : i32
      %dma_wait3A_802 = arith.constant 4 : i32
      %dma_wait3A_803 = arith.constant 0 : i32
      %dma_wait3A_804 = arith.constant 0 : i32
      %dma_wait3A_805 = tpu.memref_slice %arg6[%dma_wait3A_802, %dma_wait3A_803, %dma_wait3A_804] : memref<8x32x128xf32, #tpu.memory_space<vmem>> -> memref<1x32x128xf32, #tpu.memory_space<vmem>>
      %dma_wait3A_806 = tpu.memref_squeeze %dma_wait3A_805 : memref<1x32x128xf32, #tpu.memory_space<vmem>> -> memref<32x128xf32, #tpu.memory_space<vmem>>
      %dma_wait3A_807 = arith.constant 0 : i32
      %dma_wait3A_808 = arith.constant 0 : i32
      %dma_wait3A_809 = tpu.memref_slice %arg3[%dma_wait3A_807, %dma_wait3A_808] : memref<32x1000000xf32, #tpu.memory_space<hbm>> -> memref<32x128xf32, #tpu.memory_space<hbm>>
      %dma_wait3A_810 = arith.constant 0 : i32
      %dma_wait3A_811 = arith.constant 0 : i32
      %dma_wait3A_812 = tpu.memref_slice %arg6[%dma_wait3A_802, %dma_wait3A_810, %dma_wait3A_811] : memref<8x32x128xf32, #tpu.memory_space<vmem>> -> memref<1x32x128xf32, #tpu.memory_space<vmem>>
      %dma_wait3A_813 = tpu.memref_squeeze %dma_wait3A_812 : memref<1x32x128xf32, #tpu.memory_space<vmem>> -> memref<32x128xf32, #tpu.memory_space<vmem>>
      %dma_wait3A_814 = arith.constant 0 : i32
      %dma_wait3A_815 = arith.constant 0 : i32
      %dma_wait3A_816 = tpu.memref_slice %arg3[%dma_wait3A_814, %dma_wait3A_815] : memref<32x1000000xf32, #tpu.memory_space<hbm>> -> memref<32x128xf32, #tpu.memory_space<hbm>>
      tpu.wait_dma2 semaphore(%arg12 : memref<!tpu.dma_semaphore, #tpu.memory_space<semaphore_mem>>) src(%dma_wait3A_816 : memref<32x128xf32, #tpu.memory_space<hbm>>) dst(%dma_wait3A_813 : memref<32x128xf32, #tpu.memory_space<vmem>>)
      %and3A_817 = arith.constant 127 : i32
      %and3A_818 = arith.andi %squeeze3A_795, %and3A_817 : i32
      %broadcast_in_dim3A_819 = vector.broadcast %and3A_818 : i32 to vector<16xi32>
      %broadcast_in_dim3A_820 = vector.broadcast %add3A_801 : i32 to vector<16xi32>
      %gather3A_821 = arith.constant 4 : i32
      %gather3A_822 = arith.constant 0 : i32
      %gather3A_823 = arith.constant 0 : i32
      %gather3A_824 = tpu.memref_slice %arg6[%gather3A_821, %gather3A_822, %gather3A_823] : memref<8x32x128xf32, #tpu.memory_space<vmem>> -> memref<1x32x128xf32, #tpu.memory_space<vmem>>
      %gather3A_825 = tpu.memref_squeeze %gather3A_824 : memref<1x32x128xf32, #tpu.memory_space<vmem>> -> memref<32x128xf32, #tpu.memory_space<vmem>>
      %gather3A_826 = tpu.vector_load_idx %gather3A_825[%iota3A, %broadcast_in_dim3A_819] : memref<32x128xf32, #tpu.memory_space<vmem>>[vector<16xi32>, vector<16xi32>], vector<16xf32>,
      %gather3A_827 = arith.constant 4 : i32
      %gather3A_828 = arith.constant 0 : i32
      %gather3A_829 = arith.constant 0 : i32
      %gather3A_830 = tpu.memref_slice %arg6[%gather3A_827, %gather3A_828, %gather3A_829] : memref<8x32x128xf32, #tpu.memory_space<vmem>> -> memref<1x32x128xf32, #tpu.memory_space<vmem>>
      %gather3A_831 = tpu.memref_squeeze %gather3A_830 : memref<1x32x128xf32, #tpu.memory_space<vmem>> -> memref<32x128xf32, #tpu.memory_space<vmem>>
      %gather3A_832 = tpu.vector_load_idx %gather3A_831[%add3A_5, %broadcast_in_dim3A_819] : memref<32x128xf32, #tpu.memory_space<vmem>>[vector<16xi32>, vector<16xi32>], vector<16xf32>,
      tpu.vector_store_idx %arg7[%broadcast_in_dim3A_820, %iota3A], %gather3A_826 : memref<512x32xf32, #tpu.memory_space<vmem>>[vector<16xi32>, vector<16xi32>], vector<16xf32>,
      tpu.vector_store_idx %arg7[%broadcast_in_dim3A_820, %add3A_5], %gather3A_832 : memref<512x32xf32, #tpu.memory_space<vmem>>[vector<16xi32>, vector<16xi32>], vector<16xf32>,
      %slice3A_833 = vector.extract_strided_slice %get3A_14 {offsets = [13], sizes = [1], strides = [1]} : vector<16xi32> to vector<1xi32>
      %squeeze3A_834 = vector.extract %slice3A_833[0] : i32 from vector<1xi32>
      %mul3A_835 = arith.constant 16 : i32
      %mul3A_836 = arith.muli %scan3A_11, %mul3A_835 : i32
      %add3A_837 = arith.constant 8 : i32
      %add3A_838 = arith.addi %mul3A_836, %add3A_837 : i32
      %add3A_839 = arith.constant 5 : i32
      %add3A_840 = arith.addi %add3A_838, %add3A_839 : i32
      %dma_wait3A_841 = arith.constant 5 : i32
      %dma_wait3A_842 = arith.constant 0 : i32
      %dma_wait3A_843 = arith.constant 0 : i32
      %dma_wait3A_844 = tpu.memref_slice %arg6[%dma_wait3A_841, %dma_wait3A_842, %dma_wait3A_843] : memref<8x32x128xf32, #tpu.memory_space<vmem>> -> memref<1x32x128xf32, #tpu.memory_space<vmem>>
      %dma_wait3A_845 = tpu.memref_squeeze %dma_wait3A_844 : memref<1x32x128xf32, #tpu.memory_space<vmem>> -> memref<32x128xf32, #tpu.memory_space<vmem>>
      %dma_wait3A_846 = arith.constant 0 : i32
      %dma_wait3A_847 = arith.constant 0 : i32
      %dma_wait3A_848 = tpu.memref_slice %arg3[%dma_wait3A_846, %dma_wait3A_847] : memref<32x1000000xf32, #tpu.memory_space<hbm>> -> memref<32x128xf32, #tpu.memory_space<hbm>>
      %dma_wait3A_849 = arith.constant 0 : i32
      %dma_wait3A_850 = arith.constant 0 : i32
      %dma_wait3A_851 = tpu.memref_slice %arg6[%dma_wait3A_841, %dma_wait3A_849, %dma_wait3A_850] : memref<8x32x128xf32, #tpu.memory_space<vmem>> -> memref<1x32x128xf32, #tpu.memory_space<vmem>>
      %dma_wait3A_852 = tpu.memref_squeeze %dma_wait3A_851 : memref<1x32x128xf32, #tpu.memory_space<vmem>> -> memref<32x128xf32, #tpu.memory_space<vmem>>
      %dma_wait3A_853 = arith.constant 0 : i32
      %dma_wait3A_854 = arith.constant 0 : i32
      %dma_wait3A_855 = tpu.memref_slice %arg3[%dma_wait3A_853, %dma_wait3A_854] : memref<32x1000000xf32, #tpu.memory_space<hbm>> -> memref<32x128xf32, #tpu.memory_space<hbm>>
      tpu.wait_dma2 semaphore(%arg13 : memref<!tpu.dma_semaphore, #tpu.memory_space<semaphore_mem>>) src(%dma_wait3A_855 : memref<32x128xf32, #tpu.memory_space<hbm>>) dst(%dma_wait3A_852 : memref<32x128xf32, #tpu.memory_space<vmem>>)
      %and3A_856 = arith.constant 127 : i32
      %and3A_857 = arith.andi %squeeze3A_834, %and3A_856 : i32
      %broadcast_in_dim3A_858 = vector.broadcast %and3A_857 : i32 to vector<16xi32>
      %broadcast_in_dim3A_859 = vector.broadcast %add3A_840 : i32 to vector<16xi32>
      %gather3A_860 = arith.constant 5 : i32
      %gather3A_861 = arith.constant 0 : i32
      %gather3A_862 = arith.constant 0 : i32
      %gather3A_863 = tpu.memref_slice %arg6[%gather3A_860, %gather3A_861, %gather3A_862] : memref<8x32x128xf32, #tpu.memory_space<vmem>> -> memref<1x32x128xf32, #tpu.memory_space<vmem>>
      %gather3A_864 = tpu.memref_squeeze %gather3A_863 : memref<1x32x128xf32, #tpu.memory_space<vmem>> -> memref<32x128xf32, #tpu.memory_space<vmem>>
      %gather3A_865 = tpu.vector_load_idx %gather3A_864[%iota3A, %broadcast_in_dim3A_858] : memref<32x128xf32, #tpu.memory_space<vmem>>[vector<16xi32>, vector<16xi32>], vector<16xf32>,
      %gather3A_866 = arith.constant 5 : i32
      %gather3A_867 = arith.constant 0 : i32
      %gather3A_868 = arith.constant 0 : i32
      %gather3A_869 = tpu.memref_slice %arg6[%gather3A_866, %gather3A_867, %gather3A_868] : memref<8x32x128xf32, #tpu.memory_space<vmem>> -> memref<1x32x128xf32, #tpu.memory_space<vmem>>
      %gather3A_870 = tpu.memref_squeeze %gather3A_869 : memref<1x32x128xf32, #tpu.memory_space<vmem>> -> memref<32x128xf32, #tpu.memory_space<vmem>>
      %gather3A_871 = tpu.vector_load_idx %gather3A_870[%add3A_5, %broadcast_in_dim3A_858] : memref<32x128xf32, #tpu.memory_space<vmem>>[vector<16xi32>, vector<16xi32>], vector<16xf32>,
      tpu.vector_store_idx %arg7[%broadcast_in_dim3A_859, %iota3A], %gather3A_865 : memref<512x32xf32, #tpu.memory_space<vmem>>[vector<16xi32>, vector<16xi32>], vector<16xf32>,
      tpu.vector_store_idx %arg7[%broadcast_in_dim3A_859, %add3A_5], %gather3A_871 : memref<512x32xf32, #tpu.memory_space<vmem>>[vector<16xi32>, vector<16xi32>], vector<16xf32>,
      %slice3A_872 = vector.extract_strided_slice %get3A_14 {offsets = [14], sizes = [1], strides = [1]} : vector<16xi32> to vector<1xi32>
      %squeeze3A_873 = vector.extract %slice3A_872[0] : i32 from vector<1xi32>
      %mul3A_874 = arith.constant 16 : i32
      %mul3A_875 = arith.muli %scan3A_11, %mul3A_874 : i32
      %add3A_876 = arith.constant 8 : i32
      %add3A_877 = arith.addi %mul3A_875, %add3A_876 : i32
      %add3A_878 = arith.constant 6 : i32
      %add3A_879 = arith.addi %add3A_877, %add3A_878 : i32
      %dma_wait3A_880 = arith.constant 6 : i32
      %dma_wait3A_881 = arith.constant 0 : i32
      %dma_wait3A_882 = arith.constant 0 : i32
      %dma_wait3A_883 = tpu.memref_slice %arg6[%dma_wait3A_880, %dma_wait3A_881, %dma_wait3A_882] : memref<8x32x128xf32, #tpu.memory_space<vmem>> -> memref<1x32x128xf32, #tpu.memory_space<vmem>>
      %dma_wait3A_884 = tpu.memref_squeeze %dma_wait3A_883 : memref<1x32x128xf32, #tpu.memory_space<vmem>> -> memref<32x128xf32, #tpu.memory_space<vmem>>
      %dma_wait3A_885 = arith.constant 0 : i32
      %dma_wait3A_886 = arith.constant 0 : i32
      %dma_wait3A_887 = tpu.memref_slice %arg3[%dma_wait3A_885, %dma_wait3A_886] : memref<32x1000000xf32, #tpu.memory_space<hbm>> -> memref<32x128xf32, #tpu.memory_space<hbm>>
      %dma_wait3A_888 = arith.constant 0 : i32
      %dma_wait3A_889 = arith.constant 0 : i32
      %dma_wait3A_890 = tpu.memref_slice %arg6[%dma_wait3A_880, %dma_wait3A_888, %dma_wait3A_889] : memref<8x32x128xf32, #tpu.memory_space<vmem>> -> memref<1x32x128xf32, #tpu.memory_space<vmem>>
      %dma_wait3A_891 = tpu.memref_squeeze %dma_wait3A_890 : memref<1x32x128xf32, #tpu.memory_space<vmem>> -> memref<32x128xf32, #tpu.memory_space<vmem>>
      %dma_wait3A_892 = arith.constant 0 : i32
      %dma_wait3A_893 = arith.constant 0 : i32
      %dma_wait3A_894 = tpu.memref_slice %arg3[%dma_wait3A_892, %dma_wait3A_893] : memref<32x1000000xf32, #tpu.memory_space<hbm>> -> memref<32x128xf32, #tpu.memory_space<hbm>>
      tpu.wait_dma2 semaphore(%arg14 : memref<!tpu.dma_semaphore, #tpu.memory_space<semaphore_mem>>) src(%dma_wait3A_894 : memref<32x128xf32, #tpu.memory_space<hbm>>) dst(%dma_wait3A_891 : memref<32x128xf32, #tpu.memory_space<vmem>>)
      %and3A_895 = arith.constant 127 : i32
      %and3A_896 = arith.andi %squeeze3A_873, %and3A_895 : i32
      %broadcast_in_dim3A_897 = vector.broadcast %and3A_896 : i32 to vector<16xi32>
      %broadcast_in_dim3A_898 = vector.broadcast %add3A_879 : i32 to vector<16xi32>
      %gather3A_899 = arith.constant 6 : i32
      %gather3A_900 = arith.constant 0 : i32
      %gather3A_901 = arith.constant 0 : i32
      %gather3A_902 = tpu.memref_slice %arg6[%gather3A_899, %gather3A_900, %gather3A_901] : memref<8x32x128xf32, #tpu.memory_space<vmem>> -> memref<1x32x128xf32, #tpu.memory_space<vmem>>
      %gather3A_903 = tpu.memref_squeeze %gather3A_902 : memref<1x32x128xf32, #tpu.memory_space<vmem>> -> memref<32x128xf32, #tpu.memory_space<vmem>>
      %gather3A_904 = tpu.vector_load_idx %gather3A_903[%iota3A, %broadcast_in_dim3A_897] : memref<32x128xf32, #tpu.memory_space<vmem>>[vector<16xi32>, vector<16xi32>], vector<16xf32>,
      %gather3A_905 = arith.constant 6 : i32
      %gather3A_906 = arith.constant 0 : i32
      %gather3A_907 = arith.constant 0 : i32
      %gather3A_908 = tpu.memref_slice %arg6[%gather3A_905, %gather3A_906, %gather3A_907] : memref<8x32x128xf32, #tpu.memory_space<vmem>> -> memref<1x32x128xf32, #tpu.memory_space<vmem>>
      %gather3A_909 = tpu.memref_squeeze %gather3A_908 : memref<1x32x128xf32, #tpu.memory_space<vmem>> -> memref<32x128xf32, #tpu.memory_space<vmem>>
      %gather3A_910 = tpu.vector_load_idx %gather3A_909[%add3A_5, %broadcast_in_dim3A_897] : memref<32x128xf32, #tpu.memory_space<vmem>>[vector<16xi32>, vector<16xi32>], vector<16xf32>,
      tpu.vector_store_idx %arg7[%broadcast_in_dim3A_898, %iota3A], %gather3A_904 : memref<512x32xf32, #tpu.memory_space<vmem>>[vector<16xi32>, vector<16xi32>], vector<16xf32>,
      tpu.vector_store_idx %arg7[%broadcast_in_dim3A_898, %add3A_5], %gather3A_910 : memref<512x32xf32, #tpu.memory_space<vmem>>[vector<16xi32>, vector<16xi32>], vector<16xf32>,
      %slice3A_911 = vector.extract_strided_slice %get3A_14 {offsets = [15], sizes = [1], strides = [1]} : vector<16xi32> to vector<1xi32>
      %squeeze3A_912 = vector.extract %slice3A_911[0] : i32 from vector<1xi32>
      %mul3A_913 = arith.constant 16 : i32
      %mul3A_914 = arith.muli %scan3A_11, %mul3A_913 : i32
      %add3A_915 = arith.constant 8 : i32
      %add3A_916 = arith.addi %mul3A_914, %add3A_915 : i32
      %add3A_917 = arith.constant 7 : i32
      %add3A_918 = arith.addi %add3A_916, %add3A_917 : i32
      %dma_wait3A_919 = arith.constant 7 : i32
      %dma_wait3A_920 = arith.constant 0 : i32
      %dma_wait3A_921 = arith.constant 0 : i32
      %dma_wait3A_922 = tpu.memref_slice %arg6[%dma_wait3A_919, %dma_wait3A_920, %dma_wait3A_921] : memref<8x32x128xf32, #tpu.memory_space<vmem>> -> memref<1x32x128xf32, #tpu.memory_space<vmem>>
      %dma_wait3A_923 = tpu.memref_squeeze %dma_wait3A_922 : memref<1x32x128xf32, #tpu.memory_space<vmem>> -> memref<32x128xf32, #tpu.memory_space<vmem>>
      %dma_wait3A_924 = arith.constant 0 : i32
      %dma_wait3A_925 = arith.constant 0 : i32
      %dma_wait3A_926 = tpu.memref_slice %arg3[%dma_wait3A_924, %dma_wait3A_925] : memref<32x1000000xf32, #tpu.memory_space<hbm>> -> memref<32x128xf32, #tpu.memory_space<hbm>>
      %dma_wait3A_927 = arith.constant 0 : i32
      %dma_wait3A_928 = arith.constant 0 : i32
      %dma_wait3A_929 = tpu.memref_slice %arg6[%dma_wait3A_919, %dma_wait3A_927, %dma_wait3A_928] : memref<8x32x128xf32, #tpu.memory_space<vmem>> -> memref<1x32x128xf32, #tpu.memory_space<vmem>>
      %dma_wait3A_930 = tpu.memref_squeeze %dma_wait3A_929 : memref<1x32x128xf32, #tpu.memory_space<vmem>> -> memref<32x128xf32, #tpu.memory_space<vmem>>
      %dma_wait3A_931 = arith.constant 0 : i32
      %dma_wait3A_932 = arith.constant 0 : i32
      %dma_wait3A_933 = tpu.memref_slice %arg3[%dma_wait3A_931, %dma_wait3A_932] : memref<32x1000000xf32, #tpu.memory_space<hbm>> -> memref<32x128xf32, #tpu.memory_space<hbm>>
      tpu.wait_dma2 semaphore(%arg15 : memref<!tpu.dma_semaphore, #tpu.memory_space<semaphore_mem>>) src(%dma_wait3A_933 : memref<32x128xf32, #tpu.memory_space<hbm>>) dst(%dma_wait3A_930 : memref<32x128xf32, #tpu.memory_space<vmem>>)
      %and3A_934 = arith.constant 127 : i32
      %and3A_935 = arith.andi %squeeze3A_912, %and3A_934 : i32
      %broadcast_in_dim3A_936 = vector.broadcast %and3A_935 : i32 to vector<16xi32>
      %broadcast_in_dim3A_937 = vector.broadcast %add3A_918 : i32 to vector<16xi32>
      %gather3A_938 = arith.constant 7 : i32
      %gather3A_939 = arith.constant 0 : i32
      %gather3A_940 = arith.constant 0 : i32
      %gather3A_941 = tpu.memref_slice %arg6[%gather3A_938, %gather3A_939, %gather3A_940] : memref<8x32x128xf32, #tpu.memory_space<vmem>> -> memref<1x32x128xf32, #tpu.memory_space<vmem>>
      %gather3A_942 = tpu.memref_squeeze %gather3A_941 : memref<1x32x128xf32, #tpu.memory_space<vmem>> -> memref<32x128xf32, #tpu.memory_space<vmem>>
      %gather3A_943 = tpu.vector_load_idx %gather3A_942[%iota3A, %broadcast_in_dim3A_936] : memref<32x128xf32, #tpu.memory_space<vmem>>[vector<16xi32>, vector<16xi32>], vector<16xf32>,
      %gather3A_944 = arith.constant 7 : i32
      %gather3A_945 = arith.constant 0 : i32
      %gather3A_946 = arith.constant 0 : i32
      %gather3A_947 = tpu.memref_slice %arg6[%gather3A_944, %gather3A_945, %gather3A_946] : memref<8x32x128xf32, #tpu.memory_space<vmem>> -> memref<1x32x128xf32, #tpu.memory_space<vmem>>
      %gather3A_948 = tpu.memref_squeeze %gather3A_947 : memref<1x32x128xf32, #tpu.memory_space<vmem>> -> memref<32x128xf32, #tpu.memory_space<vmem>>
      %gather3A_949 = tpu.vector_load_idx %gather3A_948[%add3A_5, %broadcast_in_dim3A_936] : memref<32x128xf32, #tpu.memory_space<vmem>>[vector<16xi32>, vector<16xi32>], vector<16xf32>,
      tpu.vector_store_idx %arg7[%broadcast_in_dim3A_937, %iota3A], %gather3A_943 : memref<512x32xf32, #tpu.memory_space<vmem>>[vector<16xi32>, vector<16xi32>], vector<16xf32>,
      tpu.vector_store_idx %arg7[%broadcast_in_dim3A_937, %add3A_5], %gather3A_949 : memref<512x32xf32, #tpu.memory_space<vmem>>[vector<16xi32>, vector<16xi32>], vector<16xf32>,
    }
    %scan3A_10 = arith.constant 32 : i32
    "tpu.region"() ({
      %run_scoped3A = tpu.sem_alloc : memref<!tpu.dma_semaphore, #tpu.memory_space<semaphore_mem>>
      %dma_start3A = arith.constant 0 : i32
      %dma_start3A_11 = tpu.memref_slice %arg4[%mul3A_2, %dma_start3A] : memref<16384x32xf32, #tpu.memory_space<hbm>> -> memref<512x32xf32, #tpu.memory_space<hbm>>
      %dma_start3A_12 = arith.constant 0 : i32
      %dma_start3A_13 = tpu.memref_slice %arg4[%mul3A_2, %dma_start3A_12] : memref<16384x32xf32, #tpu.memory_space<hbm>> -> memref<512x32xf32, #tpu.memory_space<hbm>>
      tpu.enqueue_dma source(%arg7 : memref<512x32xf32, #tpu.memory_space<vmem>>) target(%dma_start3A_13 : memref<512x32xf32, #tpu.memory_space<hbm>>) target_semaphore(%run_scoped3A : memref<!tpu.dma_semaphore, #tpu.memory_space<semaphore_mem>>)
      %dma_wait3A = arith.constant 0 : i32
      %dma_wait3A_14 = tpu.memref_slice %arg4[%mul3A_2, %dma_wait3A] : memref<16384x32xf32, #tpu.memory_space<hbm>> -> memref<512x32xf32, #tpu.memory_space<hbm>>
      %dma_wait3A_15 = arith.constant 0 : i32
      %dma_wait3A_16 = tpu.memref_slice %arg4[%mul3A_2, %dma_wait3A_15] : memref<16384x32xf32, #tpu.memory_space<hbm>> -> memref<512x32xf32, #tpu.memory_space<hbm>>
      tpu.wait_dma2 semaphore(%run_scoped3A : memref<!tpu.dma_semaphore, #tpu.memory_space<semaphore_mem>>) src(%arg7 : memref<512x32xf32, #tpu.memory_space<vmem>>) dst(%dma_wait3A_16 : memref<512x32xf32, #tpu.memory_space<hbm>>)
      tpu.yield
    }) : () -> ()
    return
  }
}

</mosaic_0001>

<sc_bundles>
// kernel: kernel.3.cloned.1.call-start
scs
__scs_entry_jumppad:
0x0: {  	(pc) =	sbr.rel $0x88, $3  }
0x1: {  	(tag) =	ssettag $0x0;
	lr =	simm.s32 $0x1  }
0x2: {  	[smem:$0x3F9F] =	sst lr;
	_ =	strace $0xD0000000  }
0x3: {  	_ = 	snop  }
0x4: {  	_ = 	snop  }
0x5: {  	_ = 	snop  }
0x6: {  	_ = 	snop  }
0x7: {  	_ = 	snop  }
__scs_overlays_trampoline_lowered:
0x8: {  	[smem:$0x3FAE] =	sst s0  }
0x9: {  	[smem:$0x3FAF] =	sst s1  }
0xa: {  	[smem:$0x3FB0] =	sst s2  }
0xb: {  	[smem:$0x3FB1] =	sst s3  }
0xc: {  	[smem:$0x3FB2] =	sst s4  }
0xd: {  	[smem:$0x3FB3] =	sst s5  }
0xe: {  	[smem:$0x3FB4] =	sst s6  }
0xf: {  	[smem:$0x3FB5] =	sst s7  }
0x10: {  	[smem:$0x3FB6] =	sst s8  }
0x11: {  	[smem:$0x3FB7] =	sst s9;
	s0 =	simm.s32 @!p0 $0x0  }
0x12: {  	s1 =	sld [smem:$0x3F9D];
	s0 =	simm.s32 @p0 $0x1  }
0x13: {  	[smem:$0x3FB8] =	sst s0;
	s0 =	simm.s32 @!p1 $0x0  }
0x14: {  	s2 =	sld [smem:$0x3F9C];
	s0 =	simm.s32 @p1 $0x1  }
0x15: {  	[smem:$0x3FB9] =	sst s0;
	s0 =	simm.s32 @!p2 $0x0  }
0x16: {  	s3 =	sld [smem:$0x3FDB];
	s0 =	simm.s32 @p2 $0x1  }
0x17: {  	s4 =	simm.s32 $0x1BF5;
	[smem:$0x3FBB] =	sst s0  }
0x18: {  	s0 =	sld [smem:$0x3F9E];
	_ =	swait.ge [sflag:s4], $0x0  }
0x19: {  	s7 =	sld [smem:$0x3F9F]  }
0x1a: {  	s8 =	sadd.s32 $0xFFFFE003, lr  }
0x1b: {  	s9 =	sadd.s32 $0xFFFFFEF7, lr;
	s5 =	simm.s32 $0xFFFFFFFF;
	p2 =	slt.u32 s8, $0xFFFFF086  }
0x1c: {  	p1 =	slt.u32 s9, $0xF7A;
	s5 =	simm.s32 @!p2 $0x0  }
0x1d: {  	s5 =	simm.s32 @p1 $0x1;
	p0 =	seq.s32 s7, s2  }
0x1e: {  	s7 =	smul.u32 @!p0 $0xF7A, s2;
	p2 =	seq.s32 @!p0 s5, $0x0  }
0x1f: {  	s9 =	smul.u32 $0xF7A, s1;
	s8 =	simm.s32 @!p0 $0x1BF5;
	p2 =	por !p2, p0  }
0x20: {  	[sflag:s8] =	ssyncset.s32 @!p0 $0xFFFFF086;
	s6 =	sadd.s32 @!p0 s3, s7;
	s7 =	simm.s32 @!p0 $0x108  }
0x21: {  	s3 =	sadd.s32 s3, s9;
	s6 =	sadd.s32 @!p0 $0x88, s6;
	s7 =	simm.s32 @p2 $0x1082  }
0x22: {  	[simem:s7], [sflag:s8] =	dma.local @!p0 [hbm:s6], $0xF7A  }
0x23: {  	s9 =	sor.u32 $0xD0000000, s2;
	s6 =	simm.s32 $0x108;
	_ =	swait.ge @!p0 [sflag:s8], $0x0  }
0x24: {  	s3 =	sadd.s32 $0x88, s3;
	s6 =	simm.s32 @!p1 $0x1082;
	[sflag:s4] =	ssyncset.s32 $0xFFFFF086  }
0x25: {  	[simem:s6], [sflag:s4] =	dma.local [hbm:s3], $0xF7A  }
0x26: {  	[smem:$0x3F9F] =	sst s1;
	(tag) =	ssettag s2;
	_ =	strace s9  }
0x27: {  	s1 =	sld [smem:$0x3FAF]  }
0x28: {  	s2 =	sld [smem:$0x3FB0]  }
0x29: {  	s4 =	sld [smem:$0x3FB2]  }
0x2a: {  	p0 =	seq.s32 s5, $0x0;
	s5 =	sld [smem:$0x3FB3]  }
0x2b: {  	s6 =	sld [smem:$0x3FB4]  }
0x2c: {  	s7 =	sld [smem:$0x3FB5]  }
0x2d: {  	s3 =	simm.s32 $0x108;
	s8 =	sld [smem:$0x3FB6]  }
0x2e: {  	s3 =	simm.s32 @!p0 $0x1082;
	s9 =	sld [smem:$0x3FB7]  }
0x2f: {  	lr =	sadd.s32 s0, s3;
	s0 =	sld [smem:$0x3FAE]  }
0x30: {  	s3 =	sld [smem:$0x3FB1]  }
0x31: {  	[smem:$0x3FBA] =	sst s10  }
0x32: {  	s10 =	sld [smem:$0x3FB8];
	_ =	sdelay $0x3  }
0x33: {  	p0 =	seq.s32 s10, $0x1;
	s10 =	sld [smem:$0x3FBA];
	_ =	sdelay $0x3  }
0x34: {  	[smem:$0x3FBA] =	sst s10  }
0x35: {  	s10 =	sld [smem:$0x3FB9];
	_ =	sdelay $0x3  }
0x36: {  	p1 =	seq.s32 s10, $0x1;
	s10 =	sld [smem:$0x3FBA];
	_ =	sdelay $0x3  }
0x37: {  	[smem:$0x3FBA] =	sst s10  }
0x38: {  	s10 =	sld [smem:$0x3FBB]  }
0x39: {  	_ = 	snop;
	(pc) =	sbr.ind lr, $3  }
0x3a: {  	_ = 	snop  }
0x3b: {  	_ = 	snop  }
0x3c: {  	p2 =	seq.s32 s10, $0x1;
	s10 =	sld [smem:$0x3FBA]  }
0x3d: {  	_ =	shalt  }
0x3e: {  	_ =	shalt  }
0x3f: {  	_ =	shalt  }
0x40: {  	_ =	shalt  }
0x41: {  	_ =	shalt  }
0x42: {  	_ =	shalt  }
0x43: {  	_ =	shalt  }
0x44: {  	_ =	shalt  }
0x45: {  	_ =	shalt  }
0x46: {  	_ =	shalt  }
0x47: {  	_ =	shalt  }
0x48: {  	_ =	shalt  }
0x49: {  	_ =	shalt  }
0x4a: {  	_ =	shalt  }
0x4b: {  	_ =	shalt  }
0x4c: {  	_ =	shalt  }
0x4d: {  	_ =	shalt  }
0x4e: {  	_ =	shalt  }
0x4f: {  	_ =	shalt  }
0x50: {  	_ =	shalt  }
0x51: {  	_ =	shalt  }
0x52: {  	_ =	shalt  }
0x53: {  	_ =	shalt  }
0x54: {  	_ =	shalt  }
0x55: {  	_ =	shalt  }
0x56: {  	_ =	shalt  }
0x57: {  	_ =	shalt  }
0x58: {  	_ =	shalt  }
0x59: {  	_ =	shalt  }
0x5a: {  	_ =	shalt  }
0x5b: {  	_ =	shalt  }
0x5c: {  	_ =	shalt  }
0x5d: {  	_ =	shalt  }
0x5e: {  	_ =	shalt  }
0x5f: {  	_ =	shalt  }
0x60: {  	_ =	shalt  }
0x61: {  	_ =	shalt  }
0x62: {  	_ =	shalt  }
0x63: {  	_ =	shalt  }
0x64: {  	_ =	shalt  }
0x65: {  	_ =	shalt  }
0x66: {  	_ =	shalt  }
0x67: {  	_ =	shalt  }
0x68: {  	_ =	shalt  }
0x69: {  	_ =	shalt  }
0x6a: {  	_ =	shalt  }
0x6b: {  	_ =	shalt  }
0x6c: {  	_ =	shalt  }
0x6d: {  	_ =	shalt  }
0x6e: {  	_ =	shalt  }
0x6f: {  	_ =	shalt  }
0x70: {  	_ =	shalt  }
0x71: {  	_ =	shalt  }
0x72: {  	_ =	shalt  }
0x73: {  	_ =	shalt  }
0x74: {  	_ =	shalt  }
0x75: {  	_ =	shalt  }
0x76: {  	_ =	shalt  }
0x77: {  	_ =	shalt  }
0x78: {  	_ =	shalt  }
0x79: {  	_ =	shalt  }
0x7a: {  	_ =	shalt  }
0x7b: {  	_ =	shalt  }
0x7c: {  	_ =	shalt  }
0x7d: {  	_ =	shalt  }
0x7e: {  	_ =	shalt  }
0x7f: {  	_ =	shalt  }
0x80: {  	_ =	shalt  }
0x81: {  	_ =	shalt  }
0x82: {  	_ =	shalt  }
0x83: {  	_ =	shalt  }
0x84: {  	_ =	shalt  }
0x85: {  	_ =	shalt  }
0x86: {  	_ =	shalt  }
0x87: {  	_ =	shalt  }
.Lfunc_end0:
.L_simem_size_0:
called_computation_lowered:
.L_overlay_start_0:
0x88: {  	s2 =	sld [smem:$0x3FD9]  }
0x89: {  	s3 =	sld [smem:$0x3FFE];
	_ =	sdelay $0x1  }
0x8a: {  	s1 =	srdreg.scid  }
0x8b: {  	s0 =	sand.u32 $0x1, s1  }
0x8c: {  	s17 =	sshll.u32 s0, $0xA;
	s2 =	sadd.s32 s3, s2  }
0x8d: {  	s2 =	sadd.s32 s2, s17  }
0x8e: {  	[smem:$0x3FC6] =	sst s2  }
0x8f: {  	_ = 	snop  }
0x90: {  	s2 =	sld [smem:$0x3FC9]  }
0x91: {  	s18 =	sld [smem:$0x3FC8];
	(tm) =	ssettm $0x1  }
0x92: {  	s4 =	sld [smem:$0x3FFB];
	_ =	sdelay $0x3  }
0x93: {  	_ =	strace s4  }
0x94: {  	s4 =	sld [smem:$0x3FFC];
	_ =	sdelay $0x3  }
0x95: {  	_ =	strace s4  }
0x96: {  	s4 =	sld [smem:$0x3FFD];
	_ =	sdelay $0x3  }
0x97: {  	_ =	strace s4  }
0x98: {  	_ =	strace $0x8FFFFFFF  }
0x99: {  	s19 =	sld [smem:$0x3FDB];
	_ =	sdelay $0x1  }
0x9a: {  	s5 =	simm.s32 $_scs_section_size  }
0x9b: {  	s6 =	simm.s32 $_size__tile_overlayer_lowered;
	s7 =	simm.s32 $_tile_overlayer_lowered  }
0x9c: {  	s22 =	simm.s32 $0x1BFF;
	s21 =	sshll.u32 s7, $0x1;
	s4 =	sadd.s32 s5, s19  }
0x9d: {  	s8 =	simm.s32 $0x0;
	s20 =	sshll.u32 s6, $0x1;
	s6 =	sadd.s32 s21, s4  }
0x9e: {  	[timem:s8], [sflag:s22] =	dma.local [hbm:s6], s20  }
0x9f: {  	_ =	swait.ge [sflag:s22], s20  }
0xa0: {  	s5 =	ssub.s32 $0x0, s20;
	[sflag:s22] =	ssyncset.done $0x0  }
0xa1: {  	[sflag:s22] =	ssyncadd.s32 s5;
	_ =	sdelay $0x1  }
0xa2: {  	s23 =	simm.s32 $0x1B8B  }
0xa3: {  	_ =	swait.ge [sflag:s23], $0x1  }
0xa4: {  	[sflag:s23] =	ssyncset.done $0x0  }
0xa5: {  	s25 =	simm.s32 $0x1B8E;
	s24 =	sld [smem:$0x3FFE];
	[sflag:s23] =	ssyncadd.s32 $0xFFFFFFFF  }
0xa6: {  	s26 =	simm.s32 $execute0_lowered;
	[smem:$0x3FD2] =	sst s25  }
0xa7: {  	s6 =	sshll.u32 s26, $0x1;
	_ =	strace $0x80000046;
	[dreg:$0x1] =	wrdreg $0xFFFFFFFF  }
0xa8: {  	s28 =	simm.s32 $_size_execute0_lowered;
	s4 =	sadd.s32 s4, s6;
	[dreg:$0x0] =	wrdreg $0x0  }
0xa9: {  	s6 =	sshll.u32 s28, $0x1;
	[dreg:$0x2] =	wrdreg s4  }
0xaa: {  	[dreg:$0x3] =	wrdreg s6  }
0xab: {  	[dreg:$0x4] =	wrdreg $0xC0  }
0xac: {  	_ =	task [dreg:s8], $0x5FFFF  }
0xad: {  	[dreg:$0x1] =	wrdreg $0xFFFFFFFF  }
0xae: {  	[dreg:$0x0] =	wrdreg $0x60  }
0xaf: {  	[dreg:$0x2] =	wrdreg s2  }
0xb0: {  	[dreg:$0x3] =	wrdreg s18  }
0xb1: {  	[dreg:$0x4] =	wrdreg s24  }
0xb2: {  	[dreg:$0x5] =	wrdreg $0x9  }
0xb3: {  	_ =	task.clear_ibuf [dreg:s8], $0x6FFFF;
	_ =	strace $0x90000046  }
0xb4: {  	s29 =	simm.s32 $0x9;
	_ =	strace $0x80000048  }
0xb5: {  	_ =	swait.ge [sflag:s29], $0x1  }
0xb6: {  	[sflag:s29] =	ssyncadd.s32 $0xFFFFFFFF  }
0xb7: {  	_ =	strace $0x90000048  }
0xb8: {  	_ =	sfence  }
0xb9: {  	s30 =	sld [smem:$0x0];
	_ =	sdelay $0x2  }
0xba: {  	s31 =	sshll.u32 s1, $0xD;
	s1 =	sshrl.u32 s1, $0x2  }
0xbb: {  	s3 =	sand.u32 $0x4000, s31;
	s1 =	sadd.s32 s1, s30  }
0xbc: {  	s0 =	sor.u32 s3, s0;
	s1 =	sshll.u32 s1, $0x11  }
0xbd: {  	s0 =	sor.u32 s1, s0  }
0xbe: {  	s0 =	sadd.s32 $0x8F2B, s0  }
0xbf: {  	[sflag:s0] =	ssyncadd.remote.s32 $0x1  }
0xc0: {  	_ =	sfence.sel $0xFFFF  }
0xc1: {  	[dreg:$0x0] =	wrdreg $0xFFFFFFFF;
	(pc) =	sbr.abs _section_cstart, $3  }
0xc2: {  	[dreg:$0x1] =	wrdreg $0xFFFFFFFF  }
0xc3: {  	_ =	task.clear_ibuf [dreg:s8], $0x2FFFF;
	_ =	strace $0x9FFFFFFF  }
0xc4: {  	(tm) =	ssettm $0x7FFFFFFF  }
0xc5: {  	_ =	shalt  }
tec
execute0_lowered:
.L_overlay_start_1:
0x0: {  	(tag) =	ssettag $0x1  }
0x1: {  	s0 =	rddreg [dreg:$0x0]  }
0x2: {  	s15 =	rddreg [dreg:$0x1]  }
0x3: {  	s1 =	rddreg [dreg:$0x2]  }
0x4: {  	s2 =	srdreg.scid;
	s3 =	stileid.u32;
	s6 =	simm.s32 $0x0  }
0x5: {  	s16 =	simm.s32 $0x400;
	s17 =	simm.s32 $0x7A1400;
	s18 =	simm.s32 $0x200  }
0x6: {  	s14 =	simm.s32 $0x1200;
	s20 =	simm.s32 $0x2200;
	s22 =	simm.s32 $0x3200  }
0x7: {  	s23 =	simm.s32 $0x4200;
	s24 =	simm.s32 $0x5200;
	s21 =	simm.s32 $0x1  }
0x8: {  	s19 =	simm.s32 $0x8200;
	s28 =	simm.s32 $0x2;
	s30 =	simm.s32 $0x3  }
0x9: {  	s29 =	simm.s32 $0x4;
	s31 =	simm.s32 $0x5;
	s2 =	sand.u32 $0x1, s2  }
0xa: {  	s3 =	sshll.u32 s3, $0xA;
	[smem:$0x7FF] =	sst s6;
	s4 =	sshll.u32 s2, $0x9  }
0xb: {  	s2 =	ssub.s32 $0x2, s2;
	_ =	strace $0x80000047;
	s3 =	sor.u32 s4, s3  }
0xc: {  	s5 =	sshrl.u32 s2, $0x1;
	s4 =	sshll.u32 s3, $0x4;
	s3 =	sshrl.u32 s3, $0x3  }
0xd: {  	v0 =	vlaneseq.u32;
	s2 =	ssub.s32 s2, s5;
	s1 =	sadd.s32 s4, s1;
	s0 =	sadd.s32 s0, s3  }
0xe: {  	v1 =	vmul.u32 $0x80, v0;
	s26 =	smax.u32 s2, $0x1;
	s2 =	simm.s32 $0x0;
	[dreg:$0x13] =	wrdreg s0  }
0xf: {  	s25 =	sadd.s32 $0x400, s1;
	[dreg:$0x15] =	wrdreg s26;
	s1 =	simm.s32 $0x9  }
0x10: {  	v3 =	vor.u32 $0x10, v0;
	v2 =	vor.u32 $0x800, v1;
	s26 =	simm.s32 $0x7200;
	[dreg:$0x14] =	wrdreg s25;
	s25 =	simm.s32 $0x6200  }
.LBB2_1:
0x11: {  	[dreg:$0x16] =	wrdreg s2  }
0x12: {  	s0 =	rddreg [dreg:$0x13]  }
0x13: {  	[tilespmem:s6], [sflag:$0x9] =	stream.linear.gather [hbm4b:s0+s6], $0x200, $0x38;
	[tilespmem:$0x18200] =	vst v63  }
0x14: {  	_ =	swait.ge [sflag:s1], $0x200  }
0x15: {  	[sflag:s1] =	ssyncset.done $0x0  }
0x16: {  	[sflag:s1] =	ssyncadd.s32 $0xFFFFFE00  }
0x17: {  	v4 =	vld [tilespmem:s6+$0x0];
	_ =	sdelay $0x4  }
0x18: {  	(v2sf) =	vpush v4, $0x0  }
0x19: {  	(v2sf) =	vpush v4, $0x1  }
0x1a: {  	(v2sf) =	vpush v4, $0x2;
	_ =	sdelay $0x1  }
0x1b: {  	(v2sf) =	vpush v4, $0x3;
	_ =	sdelay $0x1  }
0x1c: {  	(v2sf) =	vpush v4, $0x4;
	_ =	sdelay $0x1  }
0x1d: {  	(v2sf) =	vpush v4, $0x5;
	_ =	sdelay $0x1  }
0x1e: {  	(v2sf) =	vpush v4, $0x6;
	_ =	sdelay $0x1  }
0x1f: {  	(v2sf) =	vpush v4, $0x7;
	_ =	sdelay $0x2  }
0x20: {  	s1 =	spop (v2sf)  }
0x21: {  	s5 =	sand.u32 $0xFFFFF80, s1;
	s2 =	spop (v2sf)  }
0x22: {  	s3 =	sadd.s32 s15, s5;
	s4 =	sand.u32 $0xFFFFF80, s2;
	s0 =	spop (v2sf)  }
0x23: {  	[tilespmem:s18], [sflag:$0x1] =	stream.strided.gather [hbm4b:s3+s16], $0x1000, s17, s16, $0x38;
	[tilespmem:$0x18200] =	vst v63  }
0x24: {  	s6 =	sadd.s32 s15, s4;
	s7 =	sand.u32 $0xFFFFF80, s0;
	s12 =	spop (v2sf)  }
0x25: {  	[tilespmem:s14], [sflag:$0x2] =	stream.strided.gather [hbm4b:s6+s16], $0x1000, s17, s16, $0x38;
	[tilespmem:$0x18200] =	vst v63  }
0x26: {  	(v2sf) =	vpush v4, $0x8;
	s8 =	sadd.s32 s15, s7;
	s9 =	sand.u32 $0xFFFFF80, s12;
	s11 =	spop (v2sf)  }
0x27: {  	(v2sf) =	vpush v4, $0x9;
	[tilespmem:s20], [sflag:$0x3] =	stream.strided.gather [hbm4b:s8+s16], $0x1000, s17, s16, $0x38;
	[tilespmem:$0x18200] =	vst v63  }
0x28: {  	(v2sf) =	vpush v4, $0xA;
	s10 =	sadd.s32 s15, s9;
	s13 =	sand.u32 $0xFFFFF80, s11;
	s9 =	spop (v2sf)  }
0x29: {  	(v2sf) =	vpush v4, $0xB;
	[tilespmem:s22], [sflag:$0x4] =	stream.strided.gather [hbm4b:s10+s16], $0x1000, s17, s16, $0x38;
	[tilespmem:$0x18200] =	vst v63  }
0x2a: {  	(v2sf) =	vpush v4, $0xC;
	s4 =	sadd.s32 s15, s13;
	s5 =	sand.u32 $0xFFFFF80, s9;
	s8 =	spop (v2sf)  }
0x2b: {  	(v2sf) =	vpush v4, $0xD;
	[tilespmem:s23], [sflag:$0x5] =	stream.strided.gather [hbm4b:s4+s16], $0x1000, s17, s16, $0x38;
	[tilespmem:$0x18200] =	vst v63  }
0x2c: {  	s6 =	sadd.s32 s15, s5;
	(v2sf) =	vpush v4, $0xE;
	s7 =	sand.u32 $0xFFFFF80, s8;
	s5 =	spop (v2sf)  }
0x2d: {  	[tilespmem:s24], [sflag:$0x6] =	stream.strided.gather [hbm4b:s6+s16], $0x1000, s17, s16, $0x38;
	[tilespmem:$0x18200] =	vst v63  }
0x2e: {  	s1 =	sand.u32 $0x7F, s1;
	s10 =	sadd.s32 s15, s7;
	s13 =	sand.u32 $0xFFFFF80, s5  }
0x2f: {  	[tilespmem:s25], [sflag:$0x7] =	stream.strided.gather [hbm4b:s10+s16], $0x1000, s17, s16, $0x38;
	[tilespmem:$0x18200] =	vst v63  }
0x30: {  	v5 =	vor.u32 s1, v1;
	s6 =	sadd.s32 s15, s13  }
0x31: {  	(v2sf) =	vpush v4, $0xF;
	v4 =	vor.u32 s1, v2;
	[tilespmem:s26], [sflag:$0x8] =	stream.strided.gather [hbm4b:s6+s16], $0x1000, s17, s16, $0x38;
	[tilespmem:$0x18200] =	vst v63  }
0x32: {  	_ =	swait.ge [sflag:s21], $0x1000  }
0x33: {  	[sflag:s21] =	ssyncset.done $0x0  }
0x34: {  	s7 =	simm.s32 $0x0;
	[sflag:s21] =	ssyncadd.s32 $0xFFFFF000  }
0x35: {  	v6 =	vor.u32 s7, v0;
	s10 =	spop (v2sf);
	v5 =	vld.idx.msk [tilespmem:v5+s18+$0x0], $0xffff  }
0x36: {  	v7 =	vor.u32 s7, v3;
	s7 =	spop (v2sf);
	v4 =	vld.idx.msk [tilespmem:v4+s18+$0x0], $0xffff  }
0x37: {  	s6 =	spop (v2sf)  }
0x38: {  	s4 =	spop (v2sf)  }
0x39: {  	s2 =	sand.u32 $0x7F, s2;
	s1 =	spop (v2sf)  }
0x3a: {  	s3 =	spop (v2sf);
	[tilespmem:v6+s19+$0x0] =	vst.idx.msk $0xffff, v5;
	v5 =	vor.u32 s2, v1  }
0x3b: {  	[tilespmem:v7+s19+$0x0] =	vst.idx.msk $0xffff, v4;
	v4 =	vor.u32 s2, v2;
	s2 =	spop (v2sf)  }
0x3c: {  	_ =	swait.ge [sflag:s28], $0x1000  }
0x3d: {  	[sflag:s28] =	ssyncset.done $0x0  }
0x3e: {  	s13 =	simm.s32 $0x80;
	[sflag:s28] =	ssyncadd.s32 $0xFFFFF000  }
0x3f: {  	v6 =	vor.u32 s13, v0;
	v5 =	vld.idx.msk [tilespmem:v5+s14+$0x0], $0xffff  }
0x40: {  	v7 =	vor.u32 s13, v3;
	v4 =	vld.idx.msk [tilespmem:v4+s14+$0x0], $0xffff;
	_ =	sdelay $0x2  }
0x41: {  	s13 =	sand.u32 $0x7F, s0  }
0x42: {  	[tilespmem:v6+s19+$0x0] =	vst.idx.msk $0xffff, v5;
	v5 =	vor.u32 s13, v1  }
0x43: {  	s0 =	spop (v2sf);
	[tilespmem:v7+s19+$0x0] =	vst.idx.msk $0xffff, v4;
	v4 =	vor.u32 s13, v2  }
0x44: {  	_ =	swait.ge [sflag:s30], $0x1000  }
0x45: {  	[sflag:s30] =	ssyncset.done $0x0  }
0x46: {  	s13 =	simm.s32 $0x100;
	[sflag:s30] =	ssyncadd.s32 $0xFFFFF000  }
0x47: {  	v6 =	vor.u32 s13, v0;
	v5 =	vld.idx.msk [tilespmem:v5+s20+$0x0], $0xffff  }
0x48: {  	v7 =	vor.u32 s13, v3;
	v4 =	vld.idx.msk [tilespmem:v4+s20+$0x0], $0xffff;
	_ =	sdelay $0x2  }
0x49: {  	s12 =	sand.u32 $0x7F, s12  }
0x4a: {  	[tilespmem:v6+s19+$0x0] =	vst.idx.msk $0xffff, v5;
	v5 =	vor.u32 s12, v1  }
0x4b: {  	[tilespmem:v7+s19+$0x0] =	vst.idx.msk $0xffff, v4;
	v4 =	vor.u32 s12, v2  }
0x4c: {  	_ =	swait.ge [sflag:s29], $0x1000  }
0x4d: {  	[sflag:s29] =	ssyncset.done $0x0  }
0x4e: {  	s13 =	simm.s32 $0x180;
	[sflag:s29] =	ssyncadd.s32 $0xFFFFF000  }
0x4f: {  	v6 =	vor.u32 s13, v0;
	v5 =	vld.idx.msk [tilespmem:v5+s22+$0x0], $0xffff  }
0x50: {  	v7 =	vor.u32 s13, v3;
	v4 =	vld.idx.msk [tilespmem:v4+s22+$0x0], $0xffff;
	_ =	sdelay $0x2  }
0x51: {  	s11 =	sand.u32 $0x7F, s11  }
0x52: {  	[tilespmem:v6+s19+$0x0] =	vst.idx.msk $0xffff, v5;
	v5 =	vor.u32 s11, v1  }
0x53: {  	[tilespmem:v7+s19+$0x0] =	vst.idx.msk $0xffff, v4;
	v4 =	vor.u32 s11, v2  }
0x54: {  	_ =	swait.ge [sflag:s31], $0x1000  }
0x55: {  	[sflag:s31] =	ssyncset.done $0x0  }
0x56: {  	s13 =	simm.s32 $0x200;
	[sflag:s31] =	ssyncadd.s32 $0xFFFFF000  }
0x57: {  	v6 =	vor.u32 s13, v0;
	v5 =	vld.idx.msk [tilespmem:v5+s23+$0x0], $0xffff  }
0x58: {  	v7 =	vor.u32 s13, v3;
	v4 =	vld.idx.msk [tilespmem:v4+s23+$0x0], $0xffff;
	_ =	sdelay $0x2  }
0x59: {  	s9 =	sand.u32 $0x7F, s9  }
0x5a: {  	[tilespmem:v6+s19+$0x0] =	vst.idx.msk $0xffff, v5;
	v5 =	vor.u32 s9, v1  }
0x5b: {  	s11 =	simm.s32 $0x6;
	[tilespmem:v7+s19+$0x0] =	vst.idx.msk $0xffff, v4;
	v4 =	vor.u32 s9, v2  }
0x5c: {  	_ =	swait.ge [sflag:s11], $0x1000  }
0x5d: {  	[sflag:s11] =	ssyncset.done $0x0  }
0x5e: {  	s12 =	simm.s32 $0x280;
	[sflag:s11] =	ssyncadd.s32 $0xFFFFF000  }
0x5f: {  	v6 =	vor.u32 s12, v0;
	v5 =	vld.idx.msk [tilespmem:v5+s24+$0x0], $0xffff  }
0x60: {  	v7 =	vor.u32 s12, v3;
	v4 =	vld.idx.msk [tilespmem:v4+s24+$0x0], $0xffff;
	_ =	sdelay $0x2  }
0x61: {  	s8 =	sand.u32 $0x7F, s8  }
0x62: {  	[tilespmem:v6+s19+$0x0] =	vst.idx.msk $0xffff, v5;
	v5 =	vor.u32 s8, v1  }
0x63: {  	s9 =	simm.s32 $0x7;
	[tilespmem:v7+s19+$0x0] =	vst.idx.msk $0xffff, v4;
	v4 =	vor.u32 s8, v2  }
0x64: {  	_ =	swait.ge [sflag:s9], $0x1000  }
0x65: {  	[sflag:s9] =	ssyncset.done $0x0  }
0x66: {  	s13 =	simm.s32 $0x300;
	[sflag:s9] =	ssyncadd.s32 $0xFFFFF000  }
0x67: {  	v6 =	vor.u32 s13, v0;
	v5 =	vld.idx.msk [tilespmem:v5+s25+$0x0], $0xffff  }
0x68: {  	v7 =	vor.u32 s13, v3;
	v4 =	vld.idx.msk [tilespmem:v4+s25+$0x0], $0xffff;
	_ =	sdelay $0x2  }
0x69: {  	s5 =	sand.u32 $0x7F, s5  }
0x6a: {  	[tilespmem:v6+s19+$0x0] =	vst.idx.msk $0xffff, v5;
	v5 =	vor.u32 s5, v1  }
0x6b: {  	s12 =	simm.s32 $0x8;
	[tilespmem:v7+s19+$0x0] =	vst.idx.msk $0xffff, v4;
	v4 =	vor.u32 s5, v2  }
0x6c: {  	_ =	swait.ge [sflag:s12], $0x1000  }
0x6d: {  	[sflag:s12] =	ssyncset.done $0x0  }
0x6e: {  	s8 =	simm.s32 $0x380;
	[sflag:s12] =	ssyncadd.s32 $0xFFFFF000  }
0x6f: {  	v6 =	vor.u32 s8, v0;
	v5 =	vld.idx.msk [tilespmem:v5+s26+$0x0], $0xffff  }
0x70: {  	v7 =	vor.u32 s8, v3;
	v4 =	vld.idx.msk [tilespmem:v4+s26+$0x0], $0xffff;
	_ =	sdelay $0x3  }
0x71: {  	s13 =	sand.u32 $0xFFFFF80, s10;
	[tilespmem:v6+s19+$0x0] =	vst.idx.msk $0xffff, v5  }
0x72: {  	s5 =	sadd.s32 s15, s13;
	s8 =	sand.u32 $0xFFFFF80, s7;
	[tilespmem:v7+s19+$0x0] =	vst.idx.msk $0xffff, v4  }
0x73: {  	[tilespmem:s18], [sflag:$0x1] =	stream.strided.gather [hbm4b:s5+s16], $0x1000, s17, s16, $0x38;
	[tilespmem:$0x18200] =	vst v63  }
0x74: {  	s13 =	sand.u32 $0xFFFFF80, s6;
	s5 =	sadd.s32 s15, s8  }
0x75: {  	[tilespmem:s14], [sflag:$0x2] =	stream.strided.gather [hbm4b:s5+s16], $0x1000, s17, s16, $0x38;
	[tilespmem:$0x18200] =	vst v63  }
0x76: {  	s8 =	sand.u32 $0xFFFFF80, s4;
	s5 =	sadd.s32 s15, s13  }
0x77: {  	[tilespmem:s20], [sflag:$0x3] =	stream.strided.gather [hbm4b:s5+s16], $0x1000, s17, s16, $0x38;
	[tilespmem:$0x18200] =	vst v63  }
0x78: {  	s13 =	sand.u32 $0xFFFFF80, s1;
	s5 =	sadd.s32 s15, s8  }
0x79: {  	[tilespmem:s22], [sflag:$0x4] =	stream.strided.gather [hbm4b:s5+s16], $0x1000, s17, s16, $0x38;
	[tilespmem:$0x18200] =	vst v63  }
0x7a: {  	s8 =	sand.u32 $0xFFFFF80, s3;
	s5 =	sadd.s32 s15, s13  }
0x7b: {  	[tilespmem:s23], [sflag:$0x5] =	stream.strided.gather [hbm4b:s5+s16], $0x1000, s17, s16, $0x38;
	[tilespmem:$0x18200] =	vst v63  }
0x7c: {  	s13 =	sand.u32 $0xFFFFF80, s2;
	s5 =	sadd.s32 s15, s8  }
0x7d: {  	[tilespmem:s24], [sflag:$0x6] =	stream.strided.gather [hbm4b:s5+s16], $0x1000, s17, s16, $0x38;
	[tilespmem:$0x18200] =	vst v63  }
0x7e: {  	s8 =	sand.u32 $0xFFFFF80, s0;
	s5 =	sadd.s32 s15, s13;
	s13 =	sand.u32 $0x7F, s10  }
0x7f: {  	[tilespmem:s25], [sflag:$0x7] =	stream.strided.gather [hbm4b:s5+s16], $0x1000, s17, s16, $0x38;
	[tilespmem:$0x18200] =	vst v63  }
0x80: {  	v4 =	vor.u32 s13, v1;
	s5 =	sadd.s32 s15, s8  }
0x81: {  	v5 =	vor.u32 s13, v2;
	[tilespmem:s26], [sflag:$0x8] =	stream.strided.gather [hbm4b:s5+s16], $0x1000, s17, s16, $0x38;
	[tilespmem:$0x18200] =	vst v63  }
0x82: {  	_ =	swait.ge [sflag:s21], $0x1000  }
0x83: {  	[sflag:s21] =	ssyncset.done $0x0  }
0x84: {  	s10 =	simm.s32 $0x400;
	[sflag:s21] =	ssyncadd.s32 $0xFFFFF000  }
0x85: {  	v6 =	vor.u32 s10, v0;
	v4 =	vld.idx.msk [tilespmem:v4+s18+$0x0], $0xffff  }
0x86: {  	v7 =	vor.u32 s10, v3;
	v5 =	vld.idx.msk [tilespmem:v5+s18+$0x0], $0xffff;
	_ =	sdelay $0x2  }
0x87: {  	s13 =	sand.u32 $0x7F, s7  }
0x88: {  	[tilespmem:v6+s19+$0x0] =	vst.idx.msk $0xffff, v4;
	v4 =	vor.u32 s13, v1  }
0x89: {  	[tilespmem:v7+s19+$0x0] =	vst.idx.msk $0xffff, v5;
	v5 =	vor.u32 s13, v2  }
0x8a: {  	_ =	swait.ge [sflag:s28], $0x1000  }
0x8b: {  	[sflag:s28] =	ssyncset.done $0x0  }
0x8c: {  	s21 =	simm.s32 $0x480;
	[sflag:s28] =	ssyncadd.s32 $0xFFFFF000  }
0x8d: {  	v6 =	vor.u32 s21, v0;
	v4 =	vld.idx.msk [tilespmem:v4+s14+$0x0], $0xffff  }
0x8e: {  	v7 =	vor.u32 s21, v3;
	v5 =	vld.idx.msk [tilespmem:v5+s14+$0x0], $0xffff;
	_ =	sdelay $0x2  }
0x8f: {  	s6 =	sand.u32 $0x7F, s6  }
0x90: {  	[tilespmem:v6+s19+$0x0] =	vst.idx.msk $0xffff, v4;
	v4 =	vor.u32 s6, v1  }
0x91: {  	[tilespmem:v7+s19+$0x0] =	vst.idx.msk $0xffff, v5;
	v5 =	vor.u32 s6, v2  }
0x92: {  	_ =	swait.ge [sflag:s30], $0x1000  }
0x93: {  	[sflag:s30] =	ssyncset.done $0x0  }
0x94: {  	s7 =	simm.s32 $0x500;
	[sflag:s30] =	ssyncadd.s32 $0xFFFFF000  }
0x95: {  	v6 =	vor.u32 s7, v0;
	v4 =	vld.idx.msk [tilespmem:v4+s20+$0x0], $0xffff  }
0x96: {  	v7 =	vor.u32 s7, v3;
	v5 =	vld.idx.msk [tilespmem:v5+s20+$0x0], $0xffff;
	_ =	sdelay $0x2  }
0x97: {  	s4 =	sand.u32 $0x7F, s4  }
0x98: {  	[tilespmem:v6+s19+$0x0] =	vst.idx.msk $0xffff, v4;
	v4 =	vor.u32 s4, v1  }
0x99: {  	[tilespmem:v7+s19+$0x0] =	vst.idx.msk $0xffff, v5;
	v5 =	vor.u32 s4, v2  }
0x9a: {  	_ =	swait.ge [sflag:s29], $0x1000  }
0x9b: {  	[sflag:s29] =	ssyncset.done $0x0  }
0x9c: {  	s8 =	simm.s32 $0x580;
	[sflag:s29] =	ssyncadd.s32 $0xFFFFF000  }
0x9d: {  	v6 =	vor.u32 s8, v0;
	v4 =	vld.idx.msk [tilespmem:v4+s22+$0x0], $0xffff  }
0x9e: {  	v7 =	vor.u32 s8, v3;
	v5 =	vld.idx.msk [tilespmem:v5+s22+$0x0], $0xffff;
	_ =	sdelay $0x2  }
0x9f: {  	s1 =	sand.u32 $0x7F, s1  }
0xa0: {  	[tilespmem:v6+s19+$0x0] =	vst.idx.msk $0xffff, v4;
	v4 =	vor.u32 s1, v1  }
0xa1: {  	[tilespmem:v7+s19+$0x0] =	vst.idx.msk $0xffff, v5;
	v5 =	vor.u32 s1, v2  }
0xa2: {  	_ =	swait.ge [sflag:s31], $0x1000  }
0xa3: {  	[sflag:s31] =	ssyncset.done $0x0  }
0xa4: {  	s10 =	simm.s32 $0x600;
	[sflag:s31] =	ssyncadd.s32 $0xFFFFF000  }
0xa5: {  	v6 =	vor.u32 s10, v0;
	v4 =	vld.idx.msk [tilespmem:v4+s23+$0x0], $0xffff  }
0xa6: {  	v7 =	vor.u32 s10, v3;
	v5 =	vld.idx.msk [tilespmem:v5+s23+$0x0], $0xffff;
	_ =	sdelay $0x2  }
0xa7: {  	s13 =	sand.u32 $0x7F, s3  }
0xa8: {  	[tilespmem:v6+s19+$0x0] =	vst.idx.msk $0xffff, v4;
	v4 =	vor.u32 s13, v1  }
0xa9: {  	[tilespmem:v7+s19+$0x0] =	vst.idx.msk $0xffff, v5;
	v5 =	vor.u32 s13, v2  }
0xaa: {  	_ =	swait.ge [sflag:s11], $0x1000  }
0xab: {  	[sflag:s11] =	ssyncset.done $0x0  }
0xac: {  	s21 =	simm.s32 $0x680;
	[sflag:s11] =	ssyncadd.s32 $0xFFFFF000  }
0xad: {  	v6 =	vor.u32 s21, v0;
	v4 =	vld.idx.msk [tilespmem:v4+s24+$0x0], $0xffff  }
0xae: {  	v7 =	vor.u32 s21, v3;
	v5 =	vld.idx.msk [tilespmem:v5+s24+$0x0], $0xffff;
	_ =	sdelay $0x2  }
0xaf: {  	s28 =	sand.u32 $0x7F, s2  }
0xb0: {  	[tilespmem:v6+s19+$0x0] =	vst.idx.msk $0xffff, v4;
	v4 =	vor.u32 s28, v1  }
0xb1: {  	[tilespmem:v7+s19+$0x0] =	vst.idx.msk $0xffff, v5;
	v5 =	vor.u32 s28, v2  }
0xb2: {  	_ =	swait.ge [sflag:s9], $0x1000  }
0xb3: {  	[sflag:s9] =	ssyncset.done $0x0  }
0xb4: {  	s30 =	simm.s32 $0x700;
	[sflag:s9] =	ssyncadd.s32 $0xFFFFF000  }
0xb5: {  	v6 =	vor.u32 s30, v0;
	v4 =	vld.idx.msk [tilespmem:v4+s25+$0x0], $0xffff  }
0xb6: {  	v7 =	vor.u32 s30, v3;
	v5 =	vld.idx.msk [tilespmem:v5+s25+$0x0], $0xffff;
	_ =	sdelay $0x2  }
0xb7: {  	s0 =	sand.u32 $0x7F, s0  }
0xb8: {  	[tilespmem:v6+s19+$0x0] =	vst.idx.msk $0xffff, v4;
	v4 =	vor.u32 s0, v1  }
0xb9: {  	[tilespmem:v7+s19+$0x0] =	vst.idx.msk $0xffff, v5  }
0xba: {  	_ =	swait.ge [sflag:s12], $0x1000  }
0xbb: {  	[sflag:s12] =	ssyncset.done $0x0  }
0xbc: {  	s31 =	simm.s32 $0x780;
	[sflag:s12] =	ssyncadd.s32 $0xFFFFF000  }
0xbd: {  	v5 =	vor.u32 s0, v2;
	v7 =	vor.u32 s31, v0;
	v6 =	vld.idx.msk [tilespmem:v4+s26+$0x0], $0xffff;
	_ =	sdelay $0x4  }
0xbe: {  	s29 =	simm.s32 $0x1F;
	s21 =	simm.s32 $0x0;
	v4 =	vld.idx.msk [tilespmem:v5+s26+$0x0], $0xffff;
	v5 =	vor.u32 s31, v3;
	[tilespmem:v7+s19+$0x0] =	vst.idx.msk $0xffff, v6  }
.LBB2_2:
0xbf: {  	_ =	sdelay $0x3  }
0xc0: {  	s21 =	sadd.s32 $0x10, s21;
	[tilespmem:v5+s19+$0x0] =	vst.idx.msk $0xffff, v4  }
0xc1: {  	v4 =	vld [tilespmem:s21+$0x0];
	_ =	sdelay $0x4  }
0xc2: {  	(v2sf) =	vpush v4, $0x0  }
0xc3: {  	(v2sf) =	vpush v4, $0x1  }
0xc4: {  	(v2sf) =	vpush v4, $0x2;
	_ =	sdelay $0x1  }
0xc5: {  	(v2sf) =	vpush v4, $0x3  }
0xc6: {  	(v2sf) =	vpush v4, $0x4;
	_ =	sdelay $0x1  }
0xc7: {  	(v2sf) =	vpush v4, $0x5  }
0xc8: {  	(v2sf) =	vpush v4, $0x6;
	_ =	sdelay $0x3  }
0xc9: {  	(v2sf) =	vpush v4, $0x7;
	_ =	sdelay $0x2  }
0xca: {  	s0 =	spop (v2sf)  }
0xcb: {  	s2 =	sand.u32 $0xFFFFF80, s0;
	s3 =	spop (v2sf)  }
0xcc: {  	s2 =	sadd.s32 s15, s2;
	s5 =	spop (v2sf)  }
0xcd: {  	[tilespmem:s18], [sflag:$0x1] =	stream.strided.gather [hbm4b:s2+s16], $0x1000, s17, s16, $0x38;
	[tilespmem:$0x18200] =	vst v63  }
0xce: {  	s4 =	sand.u32 $0xFFFFF80, s3;
	s6 =	spop (v2sf)  }
0xcf: {  	s9 =	sadd.s32 s15, s4;
	s7 =	spop (v2sf)  }
0xd0: {  	(v2sf) =	vpush v4, $0x8;
	[tilespmem:s14], [sflag:$0x2] =	stream.strided.gather [hbm4b:s9+s16], $0x1000, s17, s16, $0x38;
	[tilespmem:$0x18200] =	vst v63  }
0xd1: {  	s10 =	sand.u32 $0xFFFFF80, s5;
	s8 =	spop (v2sf);
	(v2sf) =	vpush v4, $0x9  }
0xd2: {  	s11 =	sadd.s32 s15, s10;
	s12 =	sand.u32 $0xFFFFF80, s6;
	(v2sf) =	vpush v4, $0xA;
	s9 =	spop (v2sf)  }
0xd3: {  	[tilespmem:s20], [sflag:$0x3] =	stream.strided.gather [hbm4b:s11+s16], $0x1000, s17, s16, $0x38;
	(v2sf) =	vpush v4, $0xB;
	[tilespmem:$0x18200] =	vst v63  }
0xd4: {  	s1 =	smov.u32 s29;
	s13 =	sadd.s32 s15, s12;
	s14 =	sand.u32 $0xFFFFF80, s7;
	(v2sf) =	vpush v4, $0xC  }
0xd5: {  	[tilespmem:s22], [sflag:$0x4] =	stream.strided.gather [hbm4b:s13+s16], $0x1000, s17, s16, $0x38;
	[tilespmem:$0x18200] =	vst v63  }
0xd6: {  	s20 =	sadd.s32 s15, s14;
	s10 =	spop (v2sf);
	s22 =	sand.u32 $0xFFFFF80, s8;
	(v2sf) =	vpush v4, $0xD  }
0xd7: {  	[tilespmem:s23], [sflag:$0x5] =	stream.strided.gather [hbm4b:s20+s16], $0x1000, s17, s16, $0x38;
	[tilespmem:$0x18200] =	vst v63  }
0xd8: {  	s0 =	sand.u32 $0x7F, s0;
	s31 =	sand.u32 $0xFFFFF80, s9;
	s28 =	sadd.s32 s15, s22;
	(v2sf) =	vpush v4, $0xE  }
0xd9: {  	[tilespmem:s24], [sflag:$0x6] =	stream.strided.gather [hbm4b:s28+s16], $0x1000, s17, s16, $0x38;
	[tilespmem:$0x18200] =	vst v63  }
0xda: {  	s30 =	sand.u32 $0x7F, s5;
	s11 =	sadd.s32 s15, s31;
	s12 =	sand.u32 $0xFFFFF80, s10;
	(v2sf) =	vpush v4, $0xF  }
0xdb: {  	[tilespmem:s25], [sflag:$0x7] =	stream.strided.gather [hbm4b:s11+s16], $0x1000, s17, s16, $0x38;
	[tilespmem:$0x18200] =	vst v63  }
0xdc: {  	s31 =	sshll.u32 s1, $0x7;
	s13 =	sadd.s32 s15, s12;
	v4 =	vor.u32 s0, v1;
	s11 =	simm.s32 $0x1  }
0xdd: {  	v5 =	vor.u32 s0, v2;
	[tilespmem:s26], [sflag:$0x8] =	stream.strided.gather [hbm4b:s13+s16], $0x1000, s17, s16, $0x38;
	[tilespmem:$0x18200] =	vst v63  }
0xde: {  	s4 =	sand.u32 $0x7F, s7;
	s14 =	sadd.s32 $0xFFFFF880, s31;
	_ =	swait.ge [sflag:s11], $0x1000  }
0xdf: {  	s22 =	sand.u32 $0x7F, s10;
	[sflag:s11] =	ssyncset.done $0x0;
	s10 =	spop (v2sf)  }
0xe0: {  	v6 =	vor.u32 s14, v0;
	v7 =	vor.u32 s14, v3;
	[sflag:s11] =	ssyncadd.s32 $0xFFFFF000;
	s20 =	sand.u32 $0xFFFFF80, s10;
	s14 =	spop (v2sf)  }
0xe1: {  	v4 =	vld.idx.msk [tilespmem:v4+s18+$0x0], $0xffff;
	[dreg:$0xe] =	wrdreg s20;
	s23 =	sand.u32 $0xFFFFF80, s14;
	s24 =	spop (v2sf)  }
0xe2: {  	v5 =	vld.idx.msk [tilespmem:v5+s18+$0x0], $0xffff;
	[dreg:$0xb] =	wrdreg s23;
	s25 =	sand.u32 $0xFFFFF80, s24;
	s28 =	spop (v2sf)  }
0xe3: {  	[dreg:$0xc] =	wrdreg s25;
	s18 =	sand.u32 $0xFFFFF80, s28;
	s7 =	spop (v2sf)  }
0xe4: {  	s5 =	sand.u32 $0x7F, s6;
	[dreg:$0xd] =	wrdreg s18;
	s20 =	sand.u32 $0xFFFFF80, s7  }
0xe5: {  	s6 =	spop (v2sf);
	s18 =	sand.u32 $0x7F, s7;
	[dreg:$0xf] =	wrdreg s20  }
0xe6: {  	s3 =	sand.u32 $0x7F, s3;
	s25 =	sand.u32 $0xFFFFF80, s6;
	[dreg:$0xa] =	wrdreg s18;
	[tilespmem:v6+s19+$0x0] =	vst.idx.msk $0xffff, v4  }
0xe7: {  	s18 =	spop (v2sf);
	v4 =	vor.u32 s3, v1;
	[dreg:$0x10] =	wrdreg s25;
	[tilespmem:v7+s19+$0x0] =	vst.idx.msk $0xffff, v5;
	v5 =	vor.u32 s3, v2;
	s3 =	simm.s32 $0x2  }
0xe8: {  	s20 =	sand.u32 $0xFFFFF80, s18;
	_ =	swait.ge [sflag:s3], $0x1000  }
0xe9: {  	[dreg:$0x12] =	wrdreg s20;
	s20 =	spop (v2sf)  }
0xea: {  	s25 =	sand.u32 $0xFFFFF80, s20  }
0xeb: {  	[sflag:s3] =	ssyncset.done $0x0;
	[dreg:$0x11] =	wrdreg s25;
	s25 =	sadd.s32 $0xFFFFFE80, s31  }
0xec: {  	[sflag:s3] =	ssyncadd.s32 $0xFFFFF000;
	[dreg:$0x9] =	wrdreg s25;
	s25 =	simm.s32 $0x1200  }
0xed: {  	s17 =	sadd.s32 $0xFFFFF900, s31;
	v4 =	vld.idx.msk [tilespmem:v4+s25+$0x0], $0xffff;
	s25 =	sadd.s32 $0xFFFFFF00, s31  }
0xee: {  	v6 =	vor.u32 s17, v0;
	[dreg:$0x7] =	wrdreg s25;
	s25 =	simm.s32 $0x1200  }
0xef: {  	v7 =	vor.u32 s17, v3;
	v5 =	vld.idx.msk [tilespmem:v5+s25+$0x0], $0xffff  }
0xf0: {  	s6 =	sand.u32 $0x7F, s6  }
0xf1: {  	s18 =	sand.u32 $0x7F, s18;
	[dreg:$0x8] =	wrdreg s6  }
0xf2: {  	[dreg:$0x6] =	wrdreg s18;
	s20 =	sand.u32 $0x7F, s20  }
0xf3: {  	[dreg:$0x4] =	wrdreg s20;
	s25 =	sadd.s32 $0xFFFFFF80, s31;
	[tilespmem:v6+s19+$0x0] =	vst.idx.msk $0xffff, v4;
	v4 =	vor.u32 s30, v1  }
0xf4: {  	[dreg:$0x5] =	wrdreg s25;
	[tilespmem:v7+s19+$0x0] =	vst.idx.msk $0xffff, v5;
	v5 =	vor.u32 s30, v2;
	s30 =	simm.s32 $0x3  }
0xf5: {  	_ =	swait.ge [sflag:s30], $0x1000  }
0xf6: {  	[sflag:s30] =	ssyncset.done $0x0  }
0xf7: {  	s16 =	sadd.s32 $0xFFFFF980, s31;
	s20 =	simm.s32 $0x2200;
	[sflag:s30] =	ssyncadd.s32 $0xFFFFF000  }
0xf8: {  	v6 =	vor.u32 s16, v0;
	v4 =	vld.idx.msk [tilespmem:v4+s20+$0x0], $0xffff  }
0xf9: {  	v7 =	vor.u32 s16, v3;
	v5 =	vld.idx.msk [tilespmem:v5+s20+$0x0], $0xffff;
	_ =	sdelay $0x3  }
0xfa: {  	[tilespmem:v6+s19+$0x0] =	vst.idx.msk $0xffff, v4;
	v4 =	vor.u32 s5, v1  }
0xfb: {  	s6 =	simm.s32 $0x4;
	[tilespmem:v7+s19+$0x0] =	vst.idx.msk $0xffff, v5;
	v5 =	vor.u32 s5, v2  }
0xfc: {  	_ =	swait.ge [sflag:s6], $0x1000  }
0xfd: {  	s12 =	simm.s32 $0x3200;
	[sflag:s6] =	ssyncset.done $0x0  }
0xfe: {  	s0 =	sand.u32 $0x7F, s9;
	s9 =	sadd.s32 $0xFFFFFA00, s31;
	[sflag:s6] =	ssyncadd.s32 $0xFFFFF000  }
0xff: {  	v6 =	vor.u32 s9, v0;
	v4 =	vld.idx.msk [tilespmem:v4+s12+$0x0], $0xffff  }
0x100: {  	v7 =	vor.u32 s9, v3;
	v5 =	vld.idx.msk [tilespmem:v5+s12+$0x0], $0xffff;
	_ =	sdelay $0x3  }
0x101: {  	[tilespmem:v6+s19+$0x0] =	vst.idx.msk $0xffff, v4;
	v4 =	vor.u32 s4, v1  }
0x102: {  	s9 =	simm.s32 $0x5;
	[tilespmem:v7+s19+$0x0] =	vst.idx.msk $0xffff, v5;
	v5 =	vor.u32 s4, v2  }
0x103: {  	_ =	swait.ge [sflag:s9], $0x1000  }
0x104: {  	s2 =	sand.u32 $0x7F, s8;
	[sflag:s9] =	ssyncset.done $0x0  }
0x105: {  	s8 =	sadd.s32 $0xFFFFFA80, s31;
	s25 =	simm.s32 $0x4200;
	[sflag:s9] =	ssyncadd.s32 $0xFFFFF000  }
0x106: {  	s5 =	simm.s32 $0x4200;
	v6 =	vor.u32 s8, v0;
	v4 =	vld.idx.msk [tilespmem:v4+s25+$0x0], $0xffff  }
0x107: {  	v7 =	vor.u32 s8, v3;
	v5 =	vld.idx.msk [tilespmem:v5+s5+$0x0], $0xffff;
	_ =	sdelay $0x3  }
0x108: {  	[tilespmem:v6+s19+$0x0] =	vst.idx.msk $0xffff, v4;
	v4 =	vor.u32 s2, v1  }
0x109: {  	[tilespmem:v7+s19+$0x0] =	vst.idx.msk $0xffff, v5;
	v5 =	vor.u32 s2, v2;
	s2 =	simm.s32 $0x6  }
0x10a: {  	_ =	swait.ge [sflag:s2], $0x1000  }
0x10b: {  	[sflag:s2] =	ssyncset.done $0x0  }
0x10c: {  	s1 =	sadd.s32 $0xFFFFFB00, s31;
	s12 =	simm.s32 $0x5200;
	[sflag:s2] =	ssyncadd.s32 $0xFFFFF000  }
0x10d: {  	s25 =	simm.s32 $0x5200;
	v6 =	vor.u32 s1, v0;
	v4 =	vld.idx.msk [tilespmem:v4+s12+$0x0], $0xffff  }
0x10e: {  	v7 =	vor.u32 s1, v3;
	v5 =	vld.idx.msk [tilespmem:v5+s25+$0x0], $0xffff;
	_ =	sdelay $0x3  }
0x10f: {  	[tilespmem:v6+s19+$0x0] =	vst.idx.msk $0xffff, v4;
	v4 =	vor.u32 s0, v1  }
0x110: {  	s4 =	simm.s32 $0x7;
	[tilespmem:v7+s19+$0x0] =	vst.idx.msk $0xffff, v5;
	v5 =	vor.u32 s0, v2  }
0x111: {  	_ =	swait.ge [sflag:s4], $0x1000  }
0x112: {  	[sflag:s4] =	ssyncset.done $0x0  }
0x113: {  	s8 =	sadd.s32 $0xFFFFFB80, s31;
	s5 =	simm.s32 $0x6200;
	[sflag:s4] =	ssyncadd.s32 $0xFFFFF000  }
0x114: {  	s12 =	simm.s32 $0x6200;
	v6 =	vor.u32 s8, v0;
	v4 =	vld.idx.msk [tilespmem:v4+s5+$0x0], $0xffff  }
0x115: {  	v7 =	vor.u32 s8, v3;
	v5 =	vld.idx.msk [tilespmem:v5+s12+$0x0], $0xffff;
	_ =	sdelay $0x3  }
0x116: {  	[tilespmem:v6+s19+$0x0] =	vst.idx.msk $0xffff, v4;
	v4 =	vor.u32 s22, v1  }
0x117: {  	s5 =	simm.s32 $0x8;
	[tilespmem:v7+s19+$0x0] =	vst.idx.msk $0xffff, v5;
	v5 =	vor.u32 s22, v2  }
0x118: {  	_ =	swait.ge [sflag:s5], $0x1000  }
0x119: {  	[sflag:s5] =	ssyncset.done $0x0  }
0x11a: {  	s26 =	sadd.s32 $0xFFFFFC00, s31;
	s25 =	simm.s32 $0x7200;
	[sflag:s5] =	ssyncadd.s32 $0xFFFFF000  }
0x11b: {  	s1 =	simm.s32 $0x7200;
	v6 =	vor.u32 s26, v0;
	v4 =	vld.idx.msk [tilespmem:v4+s25+$0x0], $0xffff  }
0x11c: {  	v7 =	vor.u32 s26, v3;
	v5 =	vld.idx.msk [tilespmem:v5+s1+$0x0], $0xffff;
	_ =	sdelay $0x3  }
0x11d: {  	s17 =	simm.s32 $0x7A1400;
	s18 =	simm.s32 $0x200;
	s8 =	rddreg [dreg:$0xe];
	[tilespmem:v6+s19+$0x0] =	vst.idx.msk $0xffff, v4  }
0x11e: {  	s16 =	simm.s32 $0x400;
	s12 =	rddreg [dreg:$0xb];
	s0 =	sadd.s32 s15, s8;
	[tilespmem:v7+s19+$0x0] =	vst.idx.msk $0xffff, v5  }
0x11f: {  	[tilespmem:s18], [sflag:$0x1] =	stream.strided.gather [hbm4b:s0+s16], $0x1000, s17, s16, $0x38;
	[tilespmem:$0x18200] =	vst v63  }
0x120: {  	s25 =	simm.s32 $0x1200;
	s1 =	rddreg [dreg:$0xc];
	s0 =	sadd.s32 s15, s12  }
0x121: {  	[tilespmem:s25], [sflag:$0x2] =	stream.strided.gather [hbm4b:s0+s16], $0x1000, s17, s16, $0x38;
	[tilespmem:$0x18200] =	vst v63  }
0x122: {  	s22 =	simm.s32 $0x3200;
	s8 =	rddreg [dreg:$0xd];
	s0 =	sadd.s32 s15, s1  }
0x123: {  	[tilespmem:s20], [sflag:$0x3] =	stream.strided.gather [hbm4b:s0+s16], $0x1000, s17, s16, $0x38;
	[tilespmem:$0x18200] =	vst v63  }
0x124: {  	s12 =	rddreg [dreg:$0xf];
	s25 =	simm.s32 $0x4200;
	s0 =	sadd.s32 s15, s8  }
0x125: {  	[tilespmem:s22], [sflag:$0x4] =	stream.strided.gather [hbm4b:s0+s16], $0x1000, s17, s16, $0x38;
	[tilespmem:$0x18200] =	vst v63  }
0x126: {  	s1 =	rddreg [dreg:$0x10];
	s8 =	simm.s32 $0x5200;
	s0 =	sadd.s32 s15, s12  }
0x127: {  	[tilespmem:s25], [sflag:$0x5] =	stream.strided.gather [hbm4b:s0+s16], $0x1000, s17, s16, $0x38;
	[tilespmem:$0x18200] =	vst v63  }
0x128: {  	s12 =	rddreg [dreg:$0x12];
	s0 =	sadd.s32 s15, s1;
	s25 =	sand.u32 $0x7F, s10  }
0x129: {  	[tilespmem:s8], [sflag:$0x6] =	stream.strided.gather [hbm4b:s0+s16], $0x1000, s17, s16, $0x38;
	[tilespmem:$0x18200] =	vst v63  }
0x12a: {  	s10 =	simm.s32 $0x6200;
	s0 =	sadd.s32 s15, s12;
	s12 =	rddreg [dreg:$0x11]  }
0x12b: {  	[tilespmem:s10], [sflag:$0x7] =	stream.strided.gather [hbm4b:s0+s16], $0x1000, s17, s16, $0x38;
	[tilespmem:$0x18200] =	vst v63  }
0x12c: {  	s26 =	simm.s32 $0x7200;
	v4 =	vor.u32 s25, v1;
	s0 =	sadd.s32 s15, s12  }
0x12d: {  	v5 =	vor.u32 s25, v2;
	[tilespmem:s26], [sflag:$0x8] =	stream.strided.gather [hbm4b:s0+s16], $0x1000, s17, s16, $0x38;
	[tilespmem:$0x18200] =	vst v63  }
0x12e: {  	_ =	swait.ge [sflag:s11], $0x1000  }
0x12f: {  	[sflag:s11] =	ssyncset.done $0x0  }
0x130: {  	s25 =	sadd.s32 $0xFFFFFC80, s31;
	[sflag:s11] =	ssyncadd.s32 $0xFFFFF000  }
0x131: {  	v6 =	vor.u32 s25, v0;
	v4 =	vld.idx.msk [tilespmem:v4+s18+$0x0], $0xffff  }
0x132: {  	v7 =	vor.u32 s25, v3;
	v5 =	vld.idx.msk [tilespmem:v5+s18+$0x0], $0xffff;
	_ =	sdelay $0x2  }
0x133: {  	s1 =	sand.u32 $0x7F, s14  }
0x134: {  	[tilespmem:v6+s19+$0x0] =	vst.idx.msk $0xffff, v4;
	v4 =	vor.u32 s1, v1  }
0x135: {  	[tilespmem:v7+s19+$0x0] =	vst.idx.msk $0xffff, v5;
	v5 =	vor.u32 s1, v2  }
0x136: {  	_ =	swait.ge [sflag:s3], $0x1000  }
0x137: {  	[sflag:s3] =	ssyncset.done $0x0  }
0x138: {  	s13 =	sadd.s32 $0xFFFFFD00, s31;
	s14 =	simm.s32 $0x1200;
	[sflag:s3] =	ssyncadd.s32 $0xFFFFF000  }
0x139: {  	v6 =	vor.u32 s13, v0;
	v4 =	vld.idx.msk [tilespmem:v4+s14+$0x0], $0xffff  }
0x13a: {  	v7 =	vor.u32 s13, v3;
	v5 =	vld.idx.msk [tilespmem:v5+s14+$0x0], $0xffff;
	_ =	sdelay $0x2  }
0x13b: {  	s23 =	sand.u32 $0x7F, s24  }
0x13c: {  	[tilespmem:v6+s19+$0x0] =	vst.idx.msk $0xffff, v4;
	v4 =	vor.u32 s23, v1  }
0x13d: {  	[tilespmem:v7+s19+$0x0] =	vst.idx.msk $0xffff, v5;
	v5 =	vor.u32 s23, v2  }
0x13e: {  	_ =	swait.ge [sflag:s30], $0x1000  }
0x13f: {  	[sflag:s30] =	ssyncset.done $0x0  }
0x140: {  	s24 =	sadd.s32 $0xFFFFFD80, s31;
	[sflag:s30] =	ssyncadd.s32 $0xFFFFF000  }
0x141: {  	v6 =	vor.u32 s24, v0;
	v4 =	vld.idx.msk [tilespmem:v4+s20+$0x0], $0xffff  }
0x142: {  	v7 =	vor.u32 s24, v3;
	v5 =	vld.idx.msk [tilespmem:v5+s20+$0x0], $0xffff;
	_ =	sdelay $0x2  }
0x143: {  	s28 =	sand.u32 $0x7F, s28  }
0x144: {  	[tilespmem:v6+s19+$0x0] =	vst.idx.msk $0xffff, v4;
	v4 =	vor.u32 s28, v1  }
0x145: {  	[tilespmem:v7+s19+$0x0] =	vst.idx.msk $0xffff, v5;
	v5 =	vor.u32 s28, v2  }
0x146: {  	_ =	swait.ge [sflag:s6], $0x1000  }
0x147: {  	[sflag:s6] =	ssyncset.done $0x0  }
0x148: {  	s7 =	sadd.s32 $0xFFFFFE00, s31;
	[sflag:s6] =	ssyncadd.s32 $0xFFFFF000  }
0x149: {  	v6 =	vor.u32 s7, v0;
	v4 =	vld.idx.msk [tilespmem:v4+s22+$0x0], $0xffff  }
0x14a: {  	v7 =	vor.u32 s7, v3;
	v5 =	vld.idx.msk [tilespmem:v5+s22+$0x0], $0xffff;
	_ =	sdelay $0x2  }
0x14b: {  	s8 =	rddreg [dreg:$0xa]  }
0x14c: {  	[tilespmem:v6+s19+$0x0] =	vst.idx.msk $0xffff, v4;
	v4 =	vor.u32 s8, v1  }
0x14d: {  	[tilespmem:v7+s19+$0x0] =	vst.idx.msk $0xffff, v5;
	v5 =	vor.u32 s8, v2  }
0x14e: {  	_ =	swait.ge [sflag:s9], $0x1000  }
0x14f: {  	[sflag:s9] =	ssyncset.done $0x0  }
0x150: {  	s23 =	simm.s32 $0x4200;
	[sflag:s9] =	ssyncadd.s32 $0xFFFFF000;
	s9 =	rddreg [dreg:$0x9]  }
0x151: {  	v4 =	vld.idx.msk [tilespmem:v4+s23+$0x0], $0xffff;
	v6 =	vor.u32 s9, v0  }
0x152: {  	v7 =	vor.u32 s9, v3;
	v5 =	vld.idx.msk [tilespmem:v5+s23+$0x0], $0xffff;
	_ =	sdelay $0x2  }
0x153: {  	s10 =	rddreg [dreg:$0x8]  }
0x154: {  	[tilespmem:v6+s19+$0x0] =	vst.idx.msk $0xffff, v4;
	v4 =	vor.u32 s10, v1  }
0x155: {  	[tilespmem:v7+s19+$0x0] =	vst.idx.msk $0xffff, v5;
	v5 =	vor.u32 s10, v2  }
0x156: {  	_ =	swait.ge [sflag:s2], $0x1000  }
0x157: {  	[sflag:s2] =	ssyncset.done $0x0  }
0x158: {  	s24 =	simm.s32 $0x5200;
	s11 =	rddreg [dreg:$0x7];
	[sflag:s2] =	ssyncadd.s32 $0xFFFFF000  }
0x159: {  	v6 =	vor.u32 s11, v0;
	v4 =	vld.idx.msk [tilespmem:v4+s24+$0x0], $0xffff  }
0x15a: {  	v7 =	vor.u32 s11, v3;
	v5 =	vld.idx.msk [tilespmem:v5+s24+$0x0], $0xffff;
	_ =	sdelay $0x2  }
0x15b: {  	s12 =	rddreg [dreg:$0x6]  }
0x15c: {  	[tilespmem:v6+s19+$0x0] =	vst.idx.msk $0xffff, v4;
	v4 =	vor.u32 s12, v1  }
0x15d: {  	[tilespmem:v7+s19+$0x0] =	vst.idx.msk $0xffff, v5;
	v5 =	vor.u32 s12, v2  }
0x15e: {  	_ =	swait.ge [sflag:s4], $0x1000  }
0x15f: {  	[sflag:s4] =	ssyncset.done $0x0  }
0x160: {  	s25 =	simm.s32 $0x6200;
	s13 =	rddreg [dreg:$0x5];
	[sflag:s4] =	ssyncadd.s32 $0xFFFFF000  }
0x161: {  	v6 =	vor.u32 s13, v0;
	v4 =	vld.idx.msk [tilespmem:v4+s25+$0x0], $0xffff  }
0x162: {  	v7 =	vor.u32 s13, v3;
	v5 =	vld.idx.msk [tilespmem:v5+s25+$0x0], $0xffff;
	_ =	sdelay $0x2  }
0x163: {  	s28 =	rddreg [dreg:$0x4]  }
0x164: {  	[tilespmem:v6+s19+$0x0] =	vst.idx.msk $0xffff, v4;
	v4 =	vor.u32 s28, v1  }
0x165: {  	[tilespmem:v7+s19+$0x0] =	vst.idx.msk $0xffff, v5  }
0x166: {  	_ =	swait.ge [sflag:s5], $0x1000  }
0x167: {  	[sflag:s5] =	ssyncset.done $0x0  }
0x168: {  	[sflag:s5] =	ssyncadd.s32 $0xFFFFF000  }
0x169: {  	p0 =	sne.s32 s29, $0x1FF;
	v5 =	vor.u32 s28, v2;
	v7 =	vor.u32 s31, v0;
	v6 =	vld.idx.msk [tilespmem:v4+s26+$0x0], $0xffff  }
.Ltmp0:
0x16a: {  	_ = 	snop;
	(pc) =	sbr.rel @p0 .LBB2_2-.Ltmp0, $2  }
0x16b: {  	_ =	sdelay $0x2  }
0x16c: {  	s29 =	sadd.s32 $0x10, s29;
	v4 =	vld.idx.msk [tilespmem:v5+s26+$0x0], $0xffff;
	v5 =	vor.u32 s31, v3;
	[tilespmem:v7+s19+$0x0] =	vst.idx.msk $0xffff, v6  }
0x16d: {  	_ =	sdelay $0x3  }
0x16e: {  	s6 =	simm.s32 $0x0;
	s0 =	rddreg [dreg:$0x14];
	s1 =	simm.s32 $0x9;
	[tilespmem:v5+s19+$0x0] =	vst.idx.msk $0xffff, v4  }
0x16f: {  	[hbm4b:s0+s6] =	stream.linear.scatter [tilespmem:s19], [sflag:$0x9], $0x10000, $0x38;
	[tilespmem:$0x18200] =	vst v63  }
0x170: {  	_ =	swait.ge [sflag:s1], $0x10000  }
0x171: {  	s2 =	rddreg [dreg:$0x16]  }
0x172: {  	s21 =	rddreg [dreg:$0x15];
	s2 =	sadd.s32 $0x1, s2  }
0x173: {  	p0 =	sne.s32 s2, s21  }
.Ltmp1:
0x174: {  	_ = 	snop;
	(pc) =	sbr.rel @p0 .LBB2_1-.Ltmp1, $3  }
0x175: {  	_ =	sdelay $0x1  }
0x176: {  	s28 =	simm.s32 $0x2;
	s29 =	simm.s32 $0x4;
	[sflag:s1] =	ssyncset.done $0x0  }
0x177: {  	s31 =	simm.s32 $0x5;
	[sflag:s1] =	ssyncadd.s32 $0xFFFF0000;
	s21 =	simm.s32 $0x1  }
0x178: {  	_ =	sfence.sel $0x180000  }
0x179: {  	[bflag:$0x0] =	sbarrier.arrive $0xFFFF  }
0x17a: {  	_ =	strace $0x90000047  }
0x17b: {  	s0 =	stileid.u32;
	[bflag:$0x2] =	sbarrier.arrive $0xFFFF  }
0x17c: {  	p0 =	sne.s32 s0, $0x0;
	s0 =	rddreg [dreg:$0x3]  }
0x17d: {  	s0 =	sadd.s32 @!p0 $0x100000, s0  }
0x17e: {  	[sflag:s0] =	ssyncadd.tile.s32 @!p0 $0x1;
	_ =	shalt  }
.Lfunc_end2:
_tile_overlayer_lowered:
.L_overlay_start_2:
0x17f: {  	(tag) =	ssettag $0x2  }
0x180: {  	s0 =	rddreg [dreg:$0x0];
	s2 =	stileid.u32  }
0x181: {  	s1 =	rddreg [dreg:$0x1];
	p0 =	sne.s32 s2, $0x0  }
0x182: {  	s3 =	rddreg [dreg:$0x2];
	[bflag:$0x3] =	sbarrier.arrive $0xFFFF;
	s2 =	simm.s32 @!p0 $0x1C09  }
0x183: {  	[timem:s3], [sflag:s2] =	dma.local @!p0 [hbm:s0], s1  }
0x184: {  	s0 =	simm.s32 @!p0 $0x9  }
0x185: {  	_ =	swait.ge @!p0 [sflag:s0], s1  }
0x186: {  	s1 =	ssub.s32 @!p0 $0x0, s1;
	[sflag:s0] =	ssyncset.done @!p0 $0x0  }
0x187: {  	[sflag:s0] =	ssyncadd.s32 @!p0 s1  }
0x188: {  	[bflag:$0x3] =	sbarrier.arrive $0xFFFF  }
0x189: {  	_ =	shalt  }

</sc_bundles>
